<compile_context>
chip_gen: v7x
topology: tpu7x:2x2x1
jax: 0.10.2.dev20260603
libtpu: 0.0.44.dev20260713+nightly
codegen_flags: <defaults>
</compile_context>

<pallas_src>
import functools

import jax
import jax.numpy as jnp
from jax import lax
from jax.experimental import pallas as pl
from jax.experimental.pallas import tpu as pltpu
from jax.experimental.pallas import tpu_sc as plsc

N = 10000
D = 128
NPAD = 10240
RPT = NPAD // 16
E = 320000
CHUNK = 128
CH = 157
EPT = CH * CHUNK
EPAD = 16 * EPT
SINK = N
BLK = 1000


def _sc_segsum(table, idx3, with_counts):
    mesh = plsc.VectorSubcoreMesh(core_axis_name="c", subcore_axis_name="s")
    out_type = [jax.ShapeDtypeStruct((2, NPAD, D), jnp.float32)]
    if with_counts:
        out_type.append(jax.ShapeDtypeStruct((2, NPAD), jnp.float32))

    @functools.partial(
        pl.kernel,
        mesh=mesh,
        out_type=tuple(out_type),
        scratch_types=[
            pltpu.VMEM((CHUNK, D), jnp.float32),
            pltpu.VMEM((2, CHUNK), jnp.int32),
            pltpu.VMEM((CHUNK,), jnp.float32),
            pltpu.VMEM_SHARED((NPAD, D), jnp.float32),
            pltpu.VMEM_SHARED((NPAD,), jnp.float32),
            pltpu.SemaphoreType.DMA,
        ],
    )
    def k(table_h, idx_h, s_h, *rest):
        if with_counts:
            cnt_h = rest[0]
            rest = rest[1:]
        (rows_v, idx2_v, ones_v, acc_s, cnt_s, gsem) = rest
        cid = lax.axis_index("c")
        sid = lax.axis_index("s")
        if with_counts:
            for j in range(8):
                ones_v[pl.ds(16 * j, 16)] = jnp.ones((16,), jnp.float32)

        def _zrow(i, c):
            for j in range(8):
                rows_v[i, pl.ds(16 * j, 16)] = jnp.zeros((16,), jnp.float32)
            return c

        lax.fori_loop(0, CHUNK, _zrow, 0)

        base_r = sid * RPT
        for z in range(RPT // CHUNK):
            pltpu.sync_copy(rows_v, acc_s.at[pl.ds(base_r + z * CHUNK, CHUNK)])
            if with_counts:
                pltpu.sync_copy(rows_v.at[z], cnt_s.at[pl.ds(base_r + z * CHUNK, CHUNK)])
        plsc.subcore_barrier()

        rbase = sid * CH * 2

        def _body(c, carry):
            pltpu.sync_copy(idx_h.at[cid, pl.ds(rbase + 2 * c, 2)], idx2_v)
            pltpu.async_copy(table_h.at[idx2_v.at[0]], rows_v, gsem).wait()
            pltpu.sync_copy(rows_v, acc_s.at[idx2_v.at[1]], add=True)
            if with_counts:
                pltpu.sync_copy(ones_v, cnt_s.at[idx2_v.at[1]], add=True)
            return carry

        lax.fori_loop(0, CH, _body, 0)
        plsc.subcore_barrier()
        pltpu.sync_copy(acc_s.at[pl.ds(base_r, RPT)], s_h.at[cid, pl.ds(base_r, RPT)])
        if with_counts:
            pltpu.sync_copy(cnt_s.at[pl.ds(base_r, RPT)], cnt_h.at[cid, pl.ds(base_r, RPT)])

    return k(table, idx3)


def _tc_body(s_ref, c_ref, x_ref, wl_ref, wr_ref, wlsl_ref, wrsl_ref,
             b_ref, bsl_ref, wlin_ref, blin_ref, o_ref, *, final):
    inv = 1.0 / jnp.maximum(c_ref[0], 1.0)
    agg = s_ref[0] * inv
    wc = wr_ref[0] + wlsl_ref[0] + wrsl_ref[0]
    h = (jnp.dot(agg, wl_ref[0], preferred_element_type=jnp.float32)
         + jnp.dot(x_ref[...], wc, preferred_element_type=jnp.float32)
         + b_ref[0] + bsl_ref[0])
    h = jnp.maximum(h, 0.0)
    if final:
        h = jnp.dot(h, wlin_ref[...], preferred_element_type=jnp.float32,
                    ) + blin_ref[...]
    o_ref[...] = h


def _tc_layer(s, cnt3, x, wl, wr, wlsl, wrsl, b, bsl, wlin, blin, final):
    nb = N // BLK
    grid = (2, nb)
    return pl.pallas_call(
        functools.partial(_tc_body, final=final),
        grid=grid,
        in_specs=[
            pl.BlockSpec((1, BLK, D), lambda t, i: (t, i, 0)),
            pl.BlockSpec((1, BLK, 1), lambda t, i: (t, i, 0)),
            pl.BlockSpec((BLK, D), lambda t, i: (t * nb + i, 0)),
            pl.BlockSpec((1, D, D), lambda t, i: (t, 0, 0)),
            pl.BlockSpec((1, D, D), lambda t, i: (t, 0, 0)),
            pl.BlockSpec((1, D, D), lambda t, i: (t, 0, 0)),
            pl.BlockSpec((1, D, D), lambda t, i: (t, 0, 0)),
            pl.BlockSpec((1, 1, D), lambda t, i: (t, 0, 0)),
            pl.BlockSpec((1, 1, D), lambda t, i: (t, 0, 0)),
            pl.BlockSpec((D, D), lambda t, i: (0, 0)),
            pl.BlockSpec((1, D), lambda t, i: (0, 0)),
        ],
        out_specs=pl.BlockSpec((BLK, D), lambda t, i: (t * nb + i, 0)),
        out_shape=jax.ShapeDtypeStruct((2 * N, D), jnp.float32),
    )(s, cnt3, x, wl, wr, wlsl, wrsl, b, bsl, wlin, blin)


def kernel(x_user, x_item, edge_index_ui, edge_index_iu, params):
    src_iu = edge_index_iu[0].astype(jnp.int32) + N
    dst_iu = edge_index_iu[1].astype(jnp.int32)
    src_ui = edge_index_ui[0].astype(jnp.int32)
    dst_ui = edge_index_ui[1].astype(jnp.int32)
    npad_e = EPAD - E
    zpad = jnp.zeros((npad_e,), jnp.int32)
    spad = jnp.full((npad_e,), SINK, jnp.int32)
    src2 = jnp.stack([jnp.concatenate([src_iu, zpad]),
                      jnp.concatenate([src_ui, zpad])]).reshape(2, 16, CH, CHUNK)
    dst2 = jnp.stack([jnp.concatenate([dst_iu, spad]),
                      jnp.concatenate([dst_ui, spad])]).reshape(2, 16, CH, CHUNK)
    idx3 = jnp.stack([src2, dst2], axis=3).reshape(2, 16 * CH * 2, CHUNK)

    x = jnp.concatenate([x_user, x_item], axis=0)
    cnt = None
    for l in range(2):
        outs = _sc_segsum(x, idx3, with_counts=(l == 0))
        s = outs[0]
        if l == 0:
            cnt3 = outs[1].reshape(2, NPAD, 1)
        wl = jnp.stack([params['Wl_%d_iu' % l], params['Wl_%d_ui' % l]])
        wr = jnp.stack([params['Wr_%d_iu' % l], params['Wr_%d_ui' % l]])
        wlsl = jnp.stack([params['Wl_%d_sl_u' % l], params['Wl_%d_sl_i' % l]])
        wrsl = jnp.stack([params['Wr_%d_sl_u' % l], params['Wr_%d_sl_i' % l]])
        b = jnp.stack([params['bl_%d_iu' % l], params['bl_%d_ui' % l]]).reshape(2, 1, D)
        bsl = jnp.stack([params['bl_%d_sl_u' % l], params['bl_%d_sl_i' % l]]).reshape(2, 1, D)
        x = _tc_layer(s, cnt3, x, wl, wr, wlsl, wrsl,
                      b, bsl, params['W_lin'], params['b_lin'].reshape(1, D),
                      final=(l == 1))
    return x[:N], x[N:]

# --- scband reference (transcript-rebuilt; emitter-appended) ---
"""Pipeline reference for scband-hetero-gcnencoder-68118181315022 (READ-ONLY COPY).

The authoritative reference and input builder live on the scoring server;
editing this copy changes nothing except your own understanding.
"""

import jax, jax.numpy as jnp
import numpy as np

NU = 10000
NI = 10000
E = 320000
DIN = 128
HID = 128
EMB = 128
NLAYER = 2
EDGE_TYPES = ['ui', 'iu', 'sl_u', 'sl_i']


def setup_inputs(seed: int = 0) -> dict:
    key = jax.random.key(seed)
    ks = jax.random.split(key, 64)
    x_user = jax.random.normal(ks[0], (NU, DIN), dtype=jnp.float32)
    x_item = jax.random.normal(ks[1], (NI, DIN), dtype=jnp.float32)
    edge_index_ui = jax.random.randint(ks[2], (2, E), 0, NI).astype(jnp.int64)  # src=user idx<NU, dst=item idx<NI (both 10000)
    edge_index_iu = jax.random.randint(ks[3], (2, E), 0, NU).astype(jnp.int64)
    params = {}
    idx = 4
    for l in range(NLAYER):
        d_in = DIN if l == 0 else HID
        for et in EDGE_TYPES:
            params['Wl_%d_%s' % (l, et)] = (jax.random.normal(ks[idx], (d_in, HID), dtype=jnp.float32) * (1.0 / np.sqrt(d_in))); idx += 1
            params['bl_%d_%s' % (l, et)] = jnp.zeros((HID,), dtype=jnp.float32)
            params['Wr_%d_%s' % (l, et)] = (jax.random.normal(ks[idx], (d_in, HID), dtype=jnp.float32) * (1.0 / np.sqrt(d_in))); idx += 1
    params['W_lin'] = jax.random.normal(ks[idx], (HID, EMB), dtype=jnp.float32) * (1.0 / np.sqrt(HID)); idx += 1
    params['b_lin'] = jnp.zeros((EMB,), dtype=jnp.float32)
    return {'x_user': x_user, 'x_item': x_item, 'edge_index_ui': edge_index_ui,
            'edge_index_iu': edge_index_iu, 'params': params}


def _sage(x_src, x_dst, src, dst, Wl, bl, Wr):
    # PyG SAGEConv: out = lin_l(mean_agg(x_src over incoming edges)) + lin_r(x_dst)
    msgs = jnp.take(x_src, src, axis=0)
    n_dst = x_dst.shape[0]
    s = jax.ops.segment_sum(msgs, dst, num_segments=n_dst)
    cnt = jax.ops.segment_sum(jnp.ones((src.shape[0],), dtype=x_src.dtype), dst, num_segments=n_dst)
    agg = s / jnp.clip(cnt, 1.0)[:, None]
    return agg @ Wl + bl + x_dst @ Wr


def _sage_self_loop(x, Wl, bl, Wr):
    # self-loop edge type: mean over the single self-neighbor == x itself
    return x @ Wl + bl + x @ Wr


def reference(x_user, x_item, edge_index_ui, edge_index_iu, params):
    xu, xi = x_user, x_item
    for l in range(NLAYER):
        # HeteroConv aggr='sum' over edge types sharing the same dst node type
        u_new = _sage(xi, xu, edge_index_iu[0], edge_index_iu[1],
                      params['Wl_%d_iu' % l], params['bl_%d_iu' % l], params['Wr_%d_iu' % l]) \
              + _sage_self_loop(xu, params['Wl_%d_sl_u' % l], params['bl_%d_sl_u' % l], params['Wr_%d_sl_u' % l])
        i_new = _sage(xu, xi, edge_index_ui[0], edge_index_ui[1],
                      params['Wl_%d_ui' % l], params['bl_%d_ui' % l], params['Wr_%d_ui' % l]) \
              + _sage_self_loop(xi, params['Wl_%d_sl_i' % l], params['bl_%d_sl_i' % l], params['Wr_%d_sl_i' % l])
        xu = jax.nn.relu(u_new)
        xi = jax.nn.relu(i_new)
    out_u = xu @ params['W_lin'] + params['b_lin']
    out_i = xi @ params['W_lin'] + params['b_lin']
    return (out_u, out_i)

if __name__ == "__main__":
    import jax
    _d = setup_inputs()
    print(jax.jit(kernel)(*tuple(_d.values())))

</pallas_src>

<mosaic_0001>
#map = affine_map<(d0, d1) -> (0, 0)>
#map1 = affine_map<(d0, d1) -> (0, 0, 0)>
module attributes {stable_mosaic.version = 14 : i64} {
  func.func @k(%arg0: i32, %arg1: i32, %arg2: memref<20000x128xf32, #tpu.memory_space<hbm>>, %arg3: memref<2x5024x128xi32, #tpu.memory_space<hbm>>, %arg4: memref<2x10240x128xf32, #tpu.memory_space<hbm>>, %arg5: memref<2x10240xf32, #tpu.memory_space<hbm>>, %arg6: memref<128x128xf32, #tpu.memory_space<vmem>>, %arg7: memref<2x128xi32, #tpu.memory_space<vmem>>, %arg8: memref<128xf32, #tpu.memory_space<vmem>>, %arg9: memref<10240x128xf32, #tpu.memory_space<vmem_shared>>, %arg10: memref<10240xf32, #tpu.memory_space<vmem_shared>>, %arg11: memref<!tpu.dma_semaphore, #tpu.memory_space<semaphore_mem>>) attributes {dimension_semantics = [#tpu.dimension_semantics<core_parallel>, #tpu.dimension_semantics<subcore_parallel>], iteration_bounds = array<i64: 2, 16>, scalar_prefetch = 0 : i64, scratch_operands = 6 : i64, tpu.core_type = #tpu.core_type<sc_vector_subcore>, window_params = [{transform_indices = #map}, {transform_indices = #map1}, {transform_indices = #map1}, {transform_indices = #map}]} {
    %broadcast_in_dim3A = arith.constant 1.000000e+00 : f32
    %broadcast_in_dim3A_0 = vector.broadcast %broadcast_in_dim3A : f32 to vector<16xf32>
    %swap3A = arith.constant 0 : index
    %swap3A_1 = tpu.vector_load %arg8[%swap3A] {strides = array<i32>} : memref<128xf32, #tpu.memory_space<vmem>>, vector<16xf32>,
    %swap3A_2 = vector.shape_cast %swap3A_1 : vector<16xf32> to vector<16xf32>
    %swap3A_3 = vector.shape_cast %broadcast_in_dim3A_0 : vector<16xf32> to vector<16xf32>
    tpu.vector_store %arg8[%swap3A], %swap3A_3 {strides = array<i32>} : memref<128xf32, #tpu.memory_space<vmem>>, vector<16xf32>,
    %broadcast_in_dim3A_4 = arith.constant 1.000000e+00 : f32
    %broadcast_in_dim3A_5 = vector.broadcast %broadcast_in_dim3A_4 : f32 to vector<16xf32>
    %swap3A_6 = arith.constant 16 : index
    %swap3A_7 = tpu.vector_load %arg8[%swap3A_6] {strides = array<i32>} : memref<128xf32, #tpu.memory_space<vmem>>, vector<16xf32>,
    %swap3A_8 = vector.shape_cast %swap3A_7 : vector<16xf32> to vector<16xf32>
    %swap3A_9 = vector.shape_cast %broadcast_in_dim3A_5 : vector<16xf32> to vector<16xf32>
    tpu.vector_store %arg8[%swap3A_6], %swap3A_9 {strides = array<i32>} : memref<128xf32, #tpu.memory_space<vmem>>, vector<16xf32>,
    %broadcast_in_dim3A_10 = arith.constant 1.000000e+00 : f32
    %broadcast_in_dim3A_11 = vector.broadcast %broadcast_in_dim3A_10 : f32 to vector<16xf32>
    %swap3A_12 = arith.constant 32 : index
    %swap3A_13 = tpu.vector_load %arg8[%swap3A_12] {strides = array<i32>} : memref<128xf32, #tpu.memory_space<vmem>>, vector<16xf32>,
    %swap3A_14 = vector.shape_cast %swap3A_13 : vector<16xf32> to vector<16xf32>
    %swap3A_15 = vector.shape_cast %broadcast_in_dim3A_11 : vector<16xf32> to vector<16xf32>
    tpu.vector_store %arg8[%swap3A_12], %swap3A_15 {strides = array<i32>} : memref<128xf32, #tpu.memory_space<vmem>>, vector<16xf32>,
    %broadcast_in_dim3A_16 = arith.constant 1.000000e+00 : f32
    %broadcast_in_dim3A_17 = vector.broadcast %broadcast_in_dim3A_16 : f32 to vector<16xf32>
    %swap3A_18 = arith.constant 48 : index
    %swap3A_19 = tpu.vector_load %arg8[%swap3A_18] {strides = array<i32>} : memref<128xf32, #tpu.memory_space<vmem>>, vector<16xf32>,
    %swap3A_20 = vector.shape_cast %swap3A_19 : vector<16xf32> to vector<16xf32>
    %swap3A_21 = vector.shape_cast %broadcast_in_dim3A_17 : vector<16xf32> to vector<16xf32>
    tpu.vector_store %arg8[%swap3A_18], %swap3A_21 {strides = array<i32>} : memref<128xf32, #tpu.memory_space<vmem>>, vector<16xf32>,
    %broadcast_in_dim3A_22 = arith.constant 1.000000e+00 : f32
    %broadcast_in_dim3A_23 = vector.broadcast %broadcast_in_dim3A_22 : f32 to vector<16xf32>
    %swap3A_24 = arith.constant 64 : index
    %swap3A_25 = tpu.vector_load %arg8[%swap3A_24] {strides = array<i32>} : memref<128xf32, #tpu.memory_space<vmem>>, vector<16xf32>,
    %swap3A_26 = vector.shape_cast %swap3A_25 : vector<16xf32> to vector<16xf32>
    %swap3A_27 = vector.shape_cast %broadcast_in_dim3A_23 : vector<16xf32> to vector<16xf32>
    tpu.vector_store %arg8[%swap3A_24], %swap3A_27 {strides = array<i32>} : memref<128xf32, #tpu.memory_space<vmem>>, vector<16xf32>,
    %broadcast_in_dim3A_28 = arith.constant 1.000000e+00 : f32
    %broadcast_in_dim3A_29 = vector.broadcast %broadcast_in_dim3A_28 : f32 to vector<16xf32>
    %swap3A_30 = arith.constant 80 : index
    %swap3A_31 = tpu.vector_load %arg8[%swap3A_30] {strides = array<i32>} : memref<128xf32, #tpu.memory_space<vmem>>, vector<16xf32>,
    %swap3A_32 = vector.shape_cast %swap3A_31 : vector<16xf32> to vector<16xf32>
    %swap3A_33 = vector.shape_cast %broadcast_in_dim3A_29 : vector<16xf32> to vector<16xf32>
    tpu.vector_store %arg8[%swap3A_30], %swap3A_33 {strides = array<i32>} : memref<128xf32, #tpu.memory_space<vmem>>, vector<16xf32>,
    %broadcast_in_dim3A_34 = arith.constant 1.000000e+00 : f32
    %broadcast_in_dim3A_35 = vector.broadcast %broadcast_in_dim3A_34 : f32 to vector<16xf32>
    %swap3A_36 = arith.constant 96 : index
    %swap3A_37 = tpu.vector_load %arg8[%swap3A_36] {strides = array<i32>} : memref<128xf32, #tpu.memory_space<vmem>>, vector<16xf32>,
    %swap3A_38 = vector.shape_cast %swap3A_37 : vector<16xf32> to vector<16xf32>
    %swap3A_39 = vector.shape_cast %broadcast_in_dim3A_35 : vector<16xf32> to vector<16xf32>
    tpu.vector_store %arg8[%swap3A_36], %swap3A_39 {strides = array<i32>} : memref<128xf32, #tpu.memory_space<vmem>>, vector<16xf32>,
    %broadcast_in_dim3A_40 = arith.constant 1.000000e+00 : f32
    %broadcast_in_dim3A_41 = vector.broadcast %broadcast_in_dim3A_40 : f32 to vector<16xf32>
    %swap3A_42 = arith.constant 112 : index
    %swap3A_43 = tpu.vector_load %arg8[%swap3A_42] {strides = array<i32>} : memref<128xf32, #tpu.memory_space<vmem>>, vector<16xf32>,
    %swap3A_44 = vector.shape_cast %swap3A_43 : vector<16xf32> to vector<16xf32>
    %swap3A_45 = vector.shape_cast %broadcast_in_dim3A_41 : vector<16xf32> to vector<16xf32>
    tpu.vector_store %arg8[%swap3A_42], %swap3A_45 {strides = array<i32>} : memref<128xf32, #tpu.memory_space<vmem>>, vector<16xf32>,
    %scan3A = arith.constant 0 : i32
    %scan3A_46 = arith.constant 0 : i32
    %scan3A_47 = arith.constant 128 : i32
    %scan3A_48 = arith.addi %scan3A_46, %scan3A_47 : i32
    %scan3A_49 = arith.constant 1 : i32
    scf.for %scan3A_86 = %scan3A_46 to %scan3A_48 step %scan3A_49  : i32 {
      %broadcast_in_dim3A_87 = arith.constant 0.000000e+00 : f32
      %broadcast_in_dim3A_88 = vector.broadcast %broadcast_in_dim3A_87 : f32 to vector<16xf32>
      %swap3A_89 = arith.index_cast %scan3A_86 : i32 to index
      %swap3A_90 = arith.constant 0 : index
      %swap3A_91 = tpu.vector_load %arg6[%swap3A_89, %swap3A_90] {strides = array<i32>} : memref<128x128xf32, #tpu.memory_space<vmem>>, vector<1x16xf32>,
      %swap3A_92 = vector.shape_cast %swap3A_91 : vector<1x16xf32> to vector<16xf32>
      %swap3A_93 = vector.shape_cast %broadcast_in_dim3A_88 : vector<16xf32> to vector<1x16xf32>
      tpu.vector_store %arg6[%swap3A_89, %swap3A_90], %swap3A_93 {strides = array<i32>} : memref<128x128xf32, #tpu.memory_space<vmem>>, vector<1x16xf32>,
      %broadcast_in_dim3A_94 = arith.constant 0.000000e+00 : f32
      %broadcast_in_dim3A_95 = vector.broadcast %broadcast_in_dim3A_94 : f32 to vector<16xf32>
      %swap3A_96 = arith.index_cast %scan3A_86 : i32 to index
      %swap3A_97 = arith.constant 16 : index
      %swap3A_98 = tpu.vector_load %arg6[%swap3A_96, %swap3A_97] {strides = array<i32>} : memref<128x128xf32, #tpu.memory_space<vmem>>, vector<1x16xf32>,
      %swap3A_99 = vector.shape_cast %swap3A_98 : vector<1x16xf32> to vector<16xf32>
      %swap3A_100 = vector.shape_cast %broadcast_in_dim3A_95 : vector<16xf32> to vector<1x16xf32>
      tpu.vector_store %arg6[%swap3A_96, %swap3A_97], %swap3A_100 {strides = array<i32>} : memref<128x128xf32, #tpu.memory_space<vmem>>, vector<1x16xf32>,
      %broadcast_in_dim3A_101 = arith.constant 0.000000e+00 : f32
      %broadcast_in_dim3A_102 = vector.broadcast %broadcast_in_dim3A_101 : f32 to vector<16xf32>
      %swap3A_103 = arith.index_cast %scan3A_86 : i32 to index
      %swap3A_104 = arith.constant 32 : index
      %swap3A_105 = tpu.vector_load %arg6[%swap3A_103, %swap3A_104] {strides = array<i32>} : memref<128x128xf32, #tpu.memory_space<vmem>>, vector<1x16xf32>,
      %swap3A_106 = vector.shape_cast %swap3A_105 : vector<1x16xf32> to vector<16xf32>
      %swap3A_107 = vector.shape_cast %broadcast_in_dim3A_102 : vector<16xf32> to vector<1x16xf32>
      tpu.vector_store %arg6[%swap3A_103, %swap3A_104], %swap3A_107 {strides = array<i32>} : memref<128x128xf32, #tpu.memory_space<vmem>>, vector<1x16xf32>,
      %broadcast_in_dim3A_108 = arith.constant 0.000000e+00 : f32
      %broadcast_in_dim3A_109 = vector.broadcast %broadcast_in_dim3A_108 : f32 to vector<16xf32>
      %swap3A_110 = arith.index_cast %scan3A_86 : i32 to index
      %swap3A_111 = arith.constant 48 : index
      %swap3A_112 = tpu.vector_load %arg6[%swap3A_110, %swap3A_111] {strides = array<i32>} : memref<128x128xf32, #tpu.memory_space<vmem>>, vector<1x16xf32>,
      %swap3A_113 = vector.shape_cast %swap3A_112 : vector<1x16xf32> to vector<16xf32>
      %swap3A_114 = vector.shape_cast %broadcast_in_dim3A_109 : vector<16xf32> to vector<1x16xf32>
      tpu.vector_store %arg6[%swap3A_110, %swap3A_111], %swap3A_114 {strides = array<i32>} : memref<128x128xf32, #tpu.memory_space<vmem>>, vector<1x16xf32>,
      %broadcast_in_dim3A_115 = arith.constant 0.000000e+00 : f32
      %broadcast_in_dim3A_116 = vector.broadcast %broadcast_in_dim3A_115 : f32 to vector<16xf32>
      %swap3A_117 = arith.index_cast %scan3A_86 : i32 to index
      %swap3A_118 = arith.constant 64 : index
      %swap3A_119 = tpu.vector_load %arg6[%swap3A_117, %swap3A_118] {strides = array<i32>} : memref<128x128xf32, #tpu.memory_space<vmem>>, vector<1x16xf32>,
      %swap3A_120 = vector.shape_cast %swap3A_119 : vector<1x16xf32> to vector<16xf32>
      %swap3A_121 = vector.shape_cast %broadcast_in_dim3A_116 : vector<16xf32> to vector<1x16xf32>
      tpu.vector_store %arg6[%swap3A_117, %swap3A_118], %swap3A_121 {strides = array<i32>} : memref<128x128xf32, #tpu.memory_space<vmem>>, vector<1x16xf32>,
      %broadcast_in_dim3A_122 = arith.constant 0.000000e+00 : f32
      %broadcast_in_dim3A_123 = vector.broadcast %broadcast_in_dim3A_122 : f32 to vector<16xf32>
      %swap3A_124 = arith.index_cast %scan3A_86 : i32 to index
      %swap3A_125 = arith.constant 80 : index
      %swap3A_126 = tpu.vector_load %arg6[%swap3A_124, %swap3A_125] {strides = array<i32>} : memref<128x128xf32, #tpu.memory_space<vmem>>, vector<1x16xf32>,
      %swap3A_127 = vector.shape_cast %swap3A_126 : vector<1x16xf32> to vector<16xf32>
      %swap3A_128 = vector.shape_cast %broadcast_in_dim3A_123 : vector<16xf32> to vector<1x16xf32>
      tpu.vector_store %arg6[%swap3A_124, %swap3A_125], %swap3A_128 {strides = array<i32>} : memref<128x128xf32, #tpu.memory_space<vmem>>, vector<1x16xf32>,
      %broadcast_in_dim3A_129 = arith.constant 0.000000e+00 : f32
      %broadcast_in_dim3A_130 = vector.broadcast %broadcast_in_dim3A_129 : f32 to vector<16xf32>
      %swap3A_131 = arith.index_cast %scan3A_86 : i32 to index
      %swap3A_132 = arith.constant 96 : index
      %swap3A_133 = tpu.vector_load %arg6[%swap3A_131, %swap3A_132] {strides = array<i32>} : memref<128x128xf32, #tpu.memory_space<vmem>>, vector<1x16xf32>,
      %swap3A_134 = vector.shape_cast %swap3A_133 : vector<1x16xf32> to vector<16xf32>
      %swap3A_135 = vector.shape_cast %broadcast_in_dim3A_130 : vector<16xf32> to vector<1x16xf32>
      tpu.vector_store %arg6[%swap3A_131, %swap3A_132], %swap3A_135 {strides = array<i32>} : memref<128x128xf32, #tpu.memory_space<vmem>>, vector<1x16xf32>,
      %broadcast_in_dim3A_136 = arith.constant 0.000000e+00 : f32
      %broadcast_in_dim3A_137 = vector.broadcast %broadcast_in_dim3A_136 : f32 to vector<16xf32>
      %swap3A_138 = arith.index_cast %scan3A_86 : i32 to index
      %swap3A_139 = arith.constant 112 : index
      %swap3A_140 = tpu.vector_load %arg6[%swap3A_138, %swap3A_139] {strides = array<i32>} : memref<128x128xf32, #tpu.memory_space<vmem>>, vector<1x16xf32>,
      %swap3A_141 = vector.shape_cast %swap3A_140 : vector<1x16xf32> to vector<16xf32>
      %swap3A_142 = vector.shape_cast %broadcast_in_dim3A_137 : vector<16xf32> to vector<1x16xf32>
      tpu.vector_store %arg6[%swap3A_138, %swap3A_139], %swap3A_142 {strides = array<i32>} : memref<128x128xf32, #tpu.memory_space<vmem>>, vector<1x16xf32>,
    }
    %scan3A_50 = arith.constant 128 : i32
    %mul3A = arith.constant 640 : i32
    %mul3A_51 = arith.muli %arg1, %mul3A : i32
    %add3A = arith.constant 0 : i32
    %add3A_52 = arith.addi %mul3A_51, %add3A : i32
    "tpu.region"() ({
      %run_scoped3A_86 = tpu.sem_alloc : memref<!tpu.dma_semaphore, #tpu.memory_space<semaphore_mem>>
      %dma_start3A = arith.constant 0 : i32
      %dma_start3A_87 = tpu.memref_slice %arg9[%add3A_52, %dma_start3A] : memref<10240x128xf32, #tpu.memory_space<vmem_shared>> -> memref<128x128xf32, #tpu.memory_space<vmem_shared>>
      %dma_start3A_88 = arith.constant 0 : i32
      %dma_start3A_89 = tpu.memref_slice %arg9[%add3A_52, %dma_start3A_88] : memref<10240x128xf32, #tpu.memory_space<vmem_shared>> -> memref<128x128xf32, #tpu.memory_space<vmem_shared>>
      tpu.enqueue_dma source(%arg6 : memref<128x128xf32, #tpu.memory_space<vmem>>) target(%dma_start3A_89 : memref<128x128xf32, #tpu.memory_space<vmem_shared>>) target_semaphore(%run_scoped3A_86 : memref<!tpu.dma_semaphore, #tpu.memory_space<semaphore_mem>>)
      %dma_wait3A = arith.constant 0 : i32
      %dma_wait3A_90 = tpu.memref_slice %arg9[%add3A_52, %dma_wait3A] : memref<10240x128xf32, #tpu.memory_space<vmem_shared>> -> memref<128x128xf32, #tpu.memory_space<vmem_shared>>
      %dma_wait3A_91 = arith.constant 0 : i32
      %dma_wait3A_92 = tpu.memref_slice %arg9[%add3A_52, %dma_wait3A_91] : memref<10240x128xf32, #tpu.memory_space<vmem_shared>> -> memref<128x128xf32, #tpu.memory_space<vmem_shared>>
      tpu.wait_dma2 semaphore(%run_scoped3A_86 : memref<!tpu.dma_semaphore, #tpu.memory_space<semaphore_mem>>) src(%arg6 : memref<128x128xf32, #tpu.memory_space<vmem>>) dst(%dma_wait3A_92 : memref<128x128xf32, #tpu.memory_space<vmem_shared>>)
      tpu.yield
    }) : () -> ()
    %add3A_53 = arith.constant 0 : i32
    %add3A_54 = arith.addi %mul3A_51, %add3A_53 : i32
    %run_scoped3A = arith.constant 0 : i32
    "tpu.region"() ({
      %run_scoped3A_86 = tpu.sem_alloc : memref<!tpu.dma_semaphore, #tpu.memory_space<semaphore_mem>>
      %dma_start3A = arith.constant 0 : i32
      %dma_start3A_87 = tpu.memref_slice %arg6[%run_scoped3A, %dma_start3A] : memref<128x128xf32, #tpu.memory_space<vmem>> -> memref<1x128xf32, #tpu.memory_space<vmem>>
      %dma_start3A_88 = tpu.memref_squeeze %dma_start3A_87 : memref<1x128xf32, #tpu.memory_space<vmem>> -> memref<128xf32, #tpu.memory_space<vmem>>
      %dma_start3A_89 = tpu.memref_slice %arg10[%add3A_54] : memref<10240xf32, #tpu.memory_space<vmem_shared>> -> memref<128xf32, #tpu.memory_space<vmem_shared>>
      %dma_start3A_90 = tpu.memref_slice %arg10[%add3A_54] : memref<10240xf32, #tpu.memory_space<vmem_shared>> -> memref<128xf32, #tpu.memory_space<vmem_shared>>
      %dma_start3A_91 = arith.constant 0 : i32
      %dma_start3A_92 = tpu.memref_slice %arg6[%run_scoped3A, %dma_start3A_91] : memref<128x128xf32, #tpu.memory_space<vmem>> -> memref<1x128xf32, #tpu.memory_space<vmem>>
      %dma_start3A_93 = tpu.memref_squeeze %dma_start3A_92 : memref<1x128xf32, #tpu.memory_space<vmem>> -> memref<128xf32, #tpu.memory_space<vmem>>
      tpu.enqueue_dma source(%dma_start3A_93 : memref<128xf32, #tpu.memory_space<vmem>>) target(%dma_start3A_90 : memref<128xf32, #tpu.memory_space<vmem_shared>>) target_semaphore(%run_scoped3A_86 : memref<!tpu.dma_semaphore, #tpu.memory_space<semaphore_mem>>)
      %dma_wait3A = arith.constant 0 : i32
      %dma_wait3A_94 = tpu.memref_slice %arg6[%run_scoped3A, %dma_wait3A] : memref<128x128xf32, #tpu.memory_space<vmem>> -> memref<1x128xf32, #tpu.memory_space<vmem>>
      %dma_wait3A_95 = tpu.memref_squeeze %dma_wait3A_94 : memref<1x128xf32, #tpu.memory_space<vmem>> -> memref<128xf32, #tpu.memory_space<vmem>>
      %dma_wait3A_96 = tpu.memref_slice %arg10[%add3A_54] : memref<10240xf32, #tpu.memory_space<vmem_shared>> -> memref<128xf32, #tpu.memory_space<vmem_shared>>
      %dma_wait3A_97 = tpu.memref_slice %arg10[%add3A_54] : memref<10240xf32, #tpu.memory_space<vmem_shared>> -> memref<128xf32, #tpu.memory_space<vmem_shared>>
      %dma_wait3A_98 = arith.constant 0 : i32
      %dma_wait3A_99 = tpu.memref_slice %arg6[%run_scoped3A, %dma_wait3A_98] : memref<128x128xf32, #tpu.memory_space<vmem>> -> memref<1x128xf32, #tpu.memory_space<vmem>>
      %dma_wait3A_100 = tpu.memref_squeeze %dma_wait3A_99 : memref<1x128xf32, #tpu.memory_space<vmem>> -> memref<128xf32, #tpu.memory_space<vmem>>
      tpu.wait_dma2 semaphore(%run_scoped3A_86 : memref<!tpu.dma_semaphore, #tpu.memory_space<semaphore_mem>>) src(%dma_wait3A_100 : memref<128xf32, #tpu.memory_space<vmem>>) dst(%dma_wait3A_97 : memref<128xf32, #tpu.memory_space<vmem_shared>>)
      tpu.yield
    }) : () -> ()
    %add3A_55 = arith.constant 128 : i32
    %add3A_56 = arith.addi %mul3A_51, %add3A_55 : i32
    "tpu.region"() ({
      %run_scoped3A_86 = tpu.sem_alloc : memref<!tpu.dma_semaphore, #tpu.memory_space<semaphore_mem>>
      %dma_start3A = arith.constant 0 : i32
      %dma_start3A_87 = tpu.memref_slice %arg9[%add3A_56, %dma_start3A] : memref<10240x128xf32, #tpu.memory_space<vmem_shared>> -> memref<128x128xf32, #tpu.memory_space<vmem_shared>>
      %dma_start3A_88 = arith.constant 0 : i32
      %dma_start3A_89 = tpu.memref_slice %arg9[%add3A_56, %dma_start3A_88] : memref<10240x128xf32, #tpu.memory_space<vmem_shared>> -> memref<128x128xf32, #tpu.memory_space<vmem_shared>>
      tpu.enqueue_dma source(%arg6 : memref<128x128xf32, #tpu.memory_space<vmem>>) target(%dma_start3A_89 : memref<128x128xf32, #tpu.memory_space<vmem_shared>>) target_semaphore(%run_scoped3A_86 : memref<!tpu.dma_semaphore, #tpu.memory_space<semaphore_mem>>)
      %dma_wait3A = arith.constant 0 : i32
      %dma_wait3A_90 = tpu.memref_slice %arg9[%add3A_56, %dma_wait3A] : memref<10240x128xf32, #tpu.memory_space<vmem_shared>> -> memref<128x128xf32, #tpu.memory_space<vmem_shared>>
      %dma_wait3A_91 = arith.constant 0 : i32
      %dma_wait3A_92 = tpu.memref_slice %arg9[%add3A_56, %dma_wait3A_91] : memref<10240x128xf32, #tpu.memory_space<vmem_shared>> -> memref<128x128xf32, #tpu.memory_space<vmem_shared>>
      tpu.wait_dma2 semaphore(%run_scoped3A_86 : memref<!tpu.dma_semaphore, #tpu.memory_space<semaphore_mem>>) src(%arg6 : memref<128x128xf32, #tpu.memory_space<vmem>>) dst(%dma_wait3A_92 : memref<128x128xf32, #tpu.memory_space<vmem_shared>>)
      tpu.yield
    }) : () -> ()
    %add3A_57 = arith.constant 128 : i32
    %add3A_58 = arith.addi %mul3A_51, %add3A_57 : i32
    %run_scoped3A_59 = arith.constant 1 : i32
    "tpu.region"() ({
      %run_scoped3A_86 = tpu.sem_alloc : memref<!tpu.dma_semaphore, #tpu.memory_space<semaphore_mem>>
      %dma_start3A = arith.constant 0 : i32
      %dma_start3A_87 = tpu.memref_slice %arg6[%run_scoped3A_59, %dma_start3A] : memref<128x128xf32, #tpu.memory_space<vmem>> -> memref<1x128xf32, #tpu.memory_space<vmem>>
      %dma_start3A_88 = tpu.memref_squeeze %dma_start3A_87 : memref<1x128xf32, #tpu.memory_space<vmem>> -> memref<128xf32, #tpu.memory_space<vmem>>
      %dma_start3A_89 = tpu.memref_slice %arg10[%add3A_58] : memref<10240xf32, #tpu.memory_space<vmem_shared>> -> memref<128xf32, #tpu.memory_space<vmem_shared>>
      %dma_start3A_90 = tpu.memref_slice %arg10[%add3A_58] : memref<10240xf32, #tpu.memory_space<vmem_shared>> -> memref<128xf32, #tpu.memory_space<vmem_shared>>
      %dma_start3A_91 = arith.constant 0 : i32
      %dma_start3A_92 = tpu.memref_slice %arg6[%run_scoped3A_59, %dma_start3A_91] : memref<128x128xf32, #tpu.memory_space<vmem>> -> memref<1x128xf32, #tpu.memory_space<vmem>>
      %dma_start3A_93 = tpu.memref_squeeze %dma_start3A_92 : memref<1x128xf32, #tpu.memory_space<vmem>> -> memref<128xf32, #tpu.memory_space<vmem>>
      tpu.enqueue_dma source(%dma_start3A_93 : memref<128xf32, #tpu.memory_space<vmem>>) target(%dma_start3A_90 : memref<128xf32, #tpu.memory_space<vmem_shared>>) target_semaphore(%run_scoped3A_86 : memref<!tpu.dma_semaphore, #tpu.memory_space<semaphore_mem>>)
      %dma_wait3A = arith.constant 0 : i32
      %dma_wait3A_94 = tpu.memref_slice %arg6[%run_scoped3A_59, %dma_wait3A] : memref<128x128xf32, #tpu.memory_space<vmem>> -> memref<1x128xf32, #tpu.memory_space<vmem>>
      %dma_wait3A_95 = tpu.memref_squeeze %dma_wait3A_94 : memref<1x128xf32, #tpu.memory_space<vmem>> -> memref<128xf32, #tpu.memory_space<vmem>>
      %dma_wait3A_96 = tpu.memref_slice %arg10[%add3A_58] : memref<10240xf32, #tpu.memory_space<vmem_shared>> -> memref<128xf32, #tpu.memory_space<vmem_shared>>
      %dma_wait3A_97 = tpu.memref_slice %arg10[%add3A_58] : memref<10240xf32, #tpu.memory_space<vmem_shared>> -> memref<128xf32, #tpu.memory_space<vmem_shared>>
      %dma_wait3A_98 = arith.constant 0 : i32
      %dma_wait3A_99 = tpu.memref_slice %arg6[%run_scoped3A_59, %dma_wait3A_98] : memref<128x128xf32, #tpu.memory_space<vmem>> -> memref<1x128xf32, #tpu.memory_space<vmem>>
      %dma_wait3A_100 = tpu.memref_squeeze %dma_wait3A_99 : memref<1x128xf32, #tpu.memory_space<vmem>> -> memref<128xf32, #tpu.memory_space<vmem>>
      tpu.wait_dma2 semaphore(%run_scoped3A_86 : memref<!tpu.dma_semaphore, #tpu.memory_space<semaphore_mem>>) src(%dma_wait3A_100 : memref<128xf32, #tpu.memory_space<vmem>>) dst(%dma_wait3A_97 : memref<128xf32, #tpu.memory_space<vmem_shared>>)
      tpu.yield
    }) : () -> ()
    %add3A_60 = arith.constant 256 : i32
    %add3A_61 = arith.addi %mul3A_51, %add3A_60 : i32
    "tpu.region"() ({
      %run_scoped3A_86 = tpu.sem_alloc : memref<!tpu.dma_semaphore, #tpu.memory_space<semaphore_mem>>
      %dma_start3A = arith.constant 0 : i32
      %dma_start3A_87 = tpu.memref_slice %arg9[%add3A_61, %dma_start3A] : memref<10240x128xf32, #tpu.memory_space<vmem_shared>> -> memref<128x128xf32, #tpu.memory_space<vmem_shared>>
      %dma_start3A_88 = arith.constant 0 : i32
      %dma_start3A_89 = tpu.memref_slice %arg9[%add3A_61, %dma_start3A_88] : memref<10240x128xf32, #tpu.memory_space<vmem_shared>> -> memref<128x128xf32, #tpu.memory_space<vmem_shared>>
      tpu.enqueue_dma source(%arg6 : memref<128x128xf32, #tpu.memory_space<vmem>>) target(%dma_start3A_89 : memref<128x128xf32, #tpu.memory_space<vmem_shared>>) target_semaphore(%run_scoped3A_86 : memref<!tpu.dma_semaphore, #tpu.memory_space<semaphore_mem>>)
      %dma_wait3A = arith.constant 0 : i32
      %dma_wait3A_90 = tpu.memref_slice %arg9[%add3A_61, %dma_wait3A] : memref<10240x128xf32, #tpu.memory_space<vmem_shared>> -> memref<128x128xf32, #tpu.memory_space<vmem_shared>>
      %dma_wait3A_91 = arith.constant 0 : i32
      %dma_wait3A_92 = tpu.memref_slice %arg9[%add3A_61, %dma_wait3A_91] : memref<10240x128xf32, #tpu.memory_space<vmem_shared>> -> memref<128x128xf32, #tpu.memory_space<vmem_shared>>
      tpu.wait_dma2 semaphore(%run_scoped3A_86 : memref<!tpu.dma_semaphore, #tpu.memory_space<semaphore_mem>>) src(%arg6 : memref<128x128xf32, #tpu.memory_space<vmem>>) dst(%dma_wait3A_92 : memref<128x128xf32, #tpu.memory_space<vmem_shared>>)
      tpu.yield
    }) : () -> ()
    %add3A_62 = arith.constant 256 : i32
    %add3A_63 = arith.addi %mul3A_51, %add3A_62 : i32
    %run_scoped3A_64 = arith.constant 2 : i32
    "tpu.region"() ({
      %run_scoped3A_86 = tpu.sem_alloc : memref<!tpu.dma_semaphore, #tpu.memory_space<semaphore_mem>>
      %dma_start3A = arith.constant 0 : i32
      %dma_start3A_87 = tpu.memref_slice %arg6[%run_scoped3A_64, %dma_start3A] : memref<128x128xf32, #tpu.memory_space<vmem>> -> memref<1x128xf32, #tpu.memory_space<vmem>>
      %dma_start3A_88 = tpu.memref_squeeze %dma_start3A_87 : memref<1x128xf32, #tpu.memory_space<vmem>> -> memref<128xf32, #tpu.memory_space<vmem>>
      %dma_start3A_89 = tpu.memref_slice %arg10[%add3A_63] : memref<10240xf32, #tpu.memory_space<vmem_shared>> -> memref<128xf32, #tpu.memory_space<vmem_shared>>
      %dma_start3A_90 = tpu.memref_slice %arg10[%add3A_63] : memref<10240xf32, #tpu.memory_space<vmem_shared>> -> memref<128xf32, #tpu.memory_space<vmem_shared>>
      %dma_start3A_91 = arith.constant 0 : i32
      %dma_start3A_92 = tpu.memref_slice %arg6[%run_scoped3A_64, %dma_start3A_91] : memref<128x128xf32, #tpu.memory_space<vmem>> -> memref<1x128xf32, #tpu.memory_space<vmem>>
      %dma_start3A_93 = tpu.memref_squeeze %dma_start3A_92 : memref<1x128xf32, #tpu.memory_space<vmem>> -> memref<128xf32, #tpu.memory_space<vmem>>
      tpu.enqueue_dma source(%dma_start3A_93 : memref<128xf32, #tpu.memory_space<vmem>>) target(%dma_start3A_90 : memref<128xf32, #tpu.memory_space<vmem_shared>>) target_semaphore(%run_scoped3A_86 : memref<!tpu.dma_semaphore, #tpu.memory_space<semaphore_mem>>)
      %dma_wait3A = arith.constant 0 : i32
      %dma_wait3A_94 = tpu.memref_slice %arg6[%run_scoped3A_64, %dma_wait3A] : memref<128x128xf32, #tpu.memory_space<vmem>> -> memref<1x128xf32, #tpu.memory_space<vmem>>
      %dma_wait3A_95 = tpu.memref_squeeze %dma_wait3A_94 : memref<1x128xf32, #tpu.memory_space<vmem>> -> memref<128xf32, #tpu.memory_space<vmem>>
      %dma_wait3A_96 = tpu.memref_slice %arg10[%add3A_63] : memref<10240xf32, #tpu.memory_space<vmem_shared>> -> memref<128xf32, #tpu.memory_space<vmem_shared>>
      %dma_wait3A_97 = tpu.memref_slice %arg10[%add3A_63] : memref<10240xf32, #tpu.memory_space<vmem_shared>> -> memref<128xf32, #tpu.memory_space<vmem_shared>>
      %dma_wait3A_98 = arith.constant 0 : i32
      %dma_wait3A_99 = tpu.memref_slice %arg6[%run_scoped3A_64, %dma_wait3A_98] : memref<128x128xf32, #tpu.memory_space<vmem>> -> memref<1x128xf32, #tpu.memory_space<vmem>>
      %dma_wait3A_100 = tpu.memref_squeeze %dma_wait3A_99 : memref<1x128xf32, #tpu.memory_space<vmem>> -> memref<128xf32, #tpu.memory_space<vmem>>
      tpu.wait_dma2 semaphore(%run_scoped3A_86 : memref<!tpu.dma_semaphore, #tpu.memory_space<semaphore_mem>>) src(%dma_wait3A_100 : memref<128xf32, #tpu.memory_space<vmem>>) dst(%dma_wait3A_97 : memref<128xf32, #tpu.memory_space<vmem_shared>>)
      tpu.yield
    }) : () -> ()
    %add3A_65 = arith.constant 384 : i32
    %add3A_66 = arith.addi %mul3A_51, %add3A_65 : i32
    "tpu.region"() ({
      %run_scoped3A_86 = tpu.sem_alloc : memref<!tpu.dma_semaphore, #tpu.memory_space<semaphore_mem>>
      %dma_start3A = arith.constant 0 : i32
      %dma_start3A_87 = tpu.memref_slice %arg9[%add3A_66, %dma_start3A] : memref<10240x128xf32, #tpu.memory_space<vmem_shared>> -> memref<128x128xf32, #tpu.memory_space<vmem_shared>>
      %dma_start3A_88 = arith.constant 0 : i32
      %dma_start3A_89 = tpu.memref_slice %arg9[%add3A_66, %dma_start3A_88] : memref<10240x128xf32, #tpu.memory_space<vmem_shared>> -> memref<128x128xf32, #tpu.memory_space<vmem_shared>>
      tpu.enqueue_dma source(%arg6 : memref<128x128xf32, #tpu.memory_space<vmem>>) target(%dma_start3A_89 : memref<128x128xf32, #tpu.memory_space<vmem_shared>>) target_semaphore(%run_scoped3A_86 : memref<!tpu.dma_semaphore, #tpu.memory_space<semaphore_mem>>)
      %dma_wait3A = arith.constant 0 : i32
      %dma_wait3A_90 = tpu.memref_slice %arg9[%add3A_66, %dma_wait3A] : memref<10240x128xf32, #tpu.memory_space<vmem_shared>> -> memref<128x128xf32, #tpu.memory_space<vmem_shared>>
      %dma_wait3A_91 = arith.constant 0 : i32
      %dma_wait3A_92 = tpu.memref_slice %arg9[%add3A_66, %dma_wait3A_91] : memref<10240x128xf32, #tpu.memory_space<vmem_shared>> -> memref<128x128xf32, #tpu.memory_space<vmem_shared>>
      tpu.wait_dma2 semaphore(%run_scoped3A_86 : memref<!tpu.dma_semaphore, #tpu.memory_space<semaphore_mem>>) src(%arg6 : memref<128x128xf32, #tpu.memory_space<vmem>>) dst(%dma_wait3A_92 : memref<128x128xf32, #tpu.memory_space<vmem_shared>>)
      tpu.yield
    }) : () -> ()
    %add3A_67 = arith.constant 384 : i32
    %add3A_68 = arith.addi %mul3A_51, %add3A_67 : i32
    %run_scoped3A_69 = arith.constant 3 : i32
    "tpu.region"() ({
      %run_scoped3A_86 = tpu.sem_alloc : memref<!tpu.dma_semaphore, #tpu.memory_space<semaphore_mem>>
      %dma_start3A = arith.constant 0 : i32
      %dma_start3A_87 = tpu.memref_slice %arg6[%run_scoped3A_69, %dma_start3A] : memref<128x128xf32, #tpu.memory_space<vmem>> -> memref<1x128xf32, #tpu.memory_space<vmem>>
      %dma_start3A_88 = tpu.memref_squeeze %dma_start3A_87 : memref<1x128xf32, #tpu.memory_space<vmem>> -> memref<128xf32, #tpu.memory_space<vmem>>
      %dma_start3A_89 = tpu.memref_slice %arg10[%add3A_68] : memref<10240xf32, #tpu.memory_space<vmem_shared>> -> memref<128xf32, #tpu.memory_space<vmem_shared>>
      %dma_start3A_90 = tpu.memref_slice %arg10[%add3A_68] : memref<10240xf32, #tpu.memory_space<vmem_shared>> -> memref<128xf32, #tpu.memory_space<vmem_shared>>
      %dma_start3A_91 = arith.constant 0 : i32
      %dma_start3A_92 = tpu.memref_slice %arg6[%run_scoped3A_69, %dma_start3A_91] : memref<128x128xf32, #tpu.memory_space<vmem>> -> memref<1x128xf32, #tpu.memory_space<vmem>>
      %dma_start3A_93 = tpu.memref_squeeze %dma_start3A_92 : memref<1x128xf32, #tpu.memory_space<vmem>> -> memref<128xf32, #tpu.memory_space<vmem>>
      tpu.enqueue_dma source(%dma_start3A_93 : memref<128xf32, #tpu.memory_space<vmem>>) target(%dma_start3A_90 : memref<128xf32, #tpu.memory_space<vmem_shared>>) target_semaphore(%run_scoped3A_86 : memref<!tpu.dma_semaphore, #tpu.memory_space<semaphore_mem>>)
      %dma_wait3A = arith.constant 0 : i32
      %dma_wait3A_94 = tpu.memref_slice %arg6[%run_scoped3A_69, %dma_wait3A] : memref<128x128xf32, #tpu.memory_space<vmem>> -> memref<1x128xf32, #tpu.memory_space<vmem>>
      %dma_wait3A_95 = tpu.memref_squeeze %dma_wait3A_94 : memref<1x128xf32, #tpu.memory_space<vmem>> -> memref<128xf32, #tpu.memory_space<vmem>>
      %dma_wait3A_96 = tpu.memref_slice %arg10[%add3A_68] : memref<10240xf32, #tpu.memory_space<vmem_shared>> -> memref<128xf32, #tpu.memory_space<vmem_shared>>
      %dma_wait3A_97 = tpu.memref_slice %arg10[%add3A_68] : memref<10240xf32, #tpu.memory_space<vmem_shared>> -> memref<128xf32, #tpu.memory_space<vmem_shared>>
      %dma_wait3A_98 = arith.constant 0 : i32
      %dma_wait3A_99 = tpu.memref_slice %arg6[%run_scoped3A_69, %dma_wait3A_98] : memref<128x128xf32, #tpu.memory_space<vmem>> -> memref<1x128xf32, #tpu.memory_space<vmem>>
      %dma_wait3A_100 = tpu.memref_squeeze %dma_wait3A_99 : memref<1x128xf32, #tpu.memory_space<vmem>> -> memref<128xf32, #tpu.memory_space<vmem>>
      tpu.wait_dma2 semaphore(%run_scoped3A_86 : memref<!tpu.dma_semaphore, #tpu.memory_space<semaphore_mem>>) src(%dma_wait3A_100 : memref<128xf32, #tpu.memory_space<vmem>>) dst(%dma_wait3A_97 : memref<128xf32, #tpu.memory_space<vmem_shared>>)
      tpu.yield
    }) : () -> ()
    %add3A_70 = arith.constant 512 : i32
    %add3A_71 = arith.addi %mul3A_51, %add3A_70 : i32
    "tpu.region"() ({
      %run_scoped3A_86 = tpu.sem_alloc : memref<!tpu.dma_semaphore, #tpu.memory_space<semaphore_mem>>
      %dma_start3A = arith.constant 0 : i32
      %dma_start3A_87 = tpu.memref_slice %arg9[%add3A_71, %dma_start3A] : memref<10240x128xf32, #tpu.memory_space<vmem_shared>> -> memref<128x128xf32, #tpu.memory_space<vmem_shared>>
      %dma_start3A_88 = arith.constant 0 : i32
      %dma_start3A_89 = tpu.memref_slice %arg9[%add3A_71, %dma_start3A_88] : memref<10240x128xf32, #tpu.memory_space<vmem_shared>> -> memref<128x128xf32, #tpu.memory_space<vmem_shared>>
      tpu.enqueue_dma source(%arg6 : memref<128x128xf32, #tpu.memory_space<vmem>>) target(%dma_start3A_89 : memref<128x128xf32, #tpu.memory_space<vmem_shared>>) target_semaphore(%run_scoped3A_86 : memref<!tpu.dma_semaphore, #tpu.memory_space<semaphore_mem>>)
      %dma_wait3A = arith.constant 0 : i32
      %dma_wait3A_90 = tpu.memref_slice %arg9[%add3A_71, %dma_wait3A] : memref<10240x128xf32, #tpu.memory_space<vmem_shared>> -> memref<128x128xf32, #tpu.memory_space<vmem_shared>>
      %dma_wait3A_91 = arith.constant 0 : i32
      %dma_wait3A_92 = tpu.memref_slice %arg9[%add3A_71, %dma_wait3A_91] : memref<10240x128xf32, #tpu.memory_space<vmem_shared>> -> memref<128x128xf32, #tpu.memory_space<vmem_shared>>
      tpu.wait_dma2 semaphore(%run_scoped3A_86 : memref<!tpu.dma_semaphore, #tpu.memory_space<semaphore_mem>>) src(%arg6 : memref<128x128xf32, #tpu.memory_space<vmem>>) dst(%dma_wait3A_92 : memref<128x128xf32, #tpu.memory_space<vmem_shared>>)
      tpu.yield
    }) : () -> ()
    %add3A_72 = arith.constant 512 : i32
    %add3A_73 = arith.addi %mul3A_51, %add3A_72 : i32
    %run_scoped3A_74 = arith.constant 4 : i32
    "tpu.region"() ({
      %run_scoped3A_86 = tpu.sem_alloc : memref<!tpu.dma_semaphore, #tpu.memory_space<semaphore_mem>>
      %dma_start3A = arith.constant 0 : i32
      %dma_start3A_87 = tpu.memref_slice %arg6[%run_scoped3A_74, %dma_start3A] : memref<128x128xf32, #tpu.memory_space<vmem>> -> memref<1x128xf32, #tpu.memory_space<vmem>>
      %dma_start3A_88 = tpu.memref_squeeze %dma_start3A_87 : memref<1x128xf32, #tpu.memory_space<vmem>> -> memref<128xf32, #tpu.memory_space<vmem>>
      %dma_start3A_89 = tpu.memref_slice %arg10[%add3A_73] : memref<10240xf32, #tpu.memory_space<vmem_shared>> -> memref<128xf32, #tpu.memory_space<vmem_shared>>
      %dma_start3A_90 = tpu.memref_slice %arg10[%add3A_73] : memref<10240xf32, #tpu.memory_space<vmem_shared>> -> memref<128xf32, #tpu.memory_space<vmem_shared>>
      %dma_start3A_91 = arith.constant 0 : i32
      %dma_start3A_92 = tpu.memref_slice %arg6[%run_scoped3A_74, %dma_start3A_91] : memref<128x128xf32, #tpu.memory_space<vmem>> -> memref<1x128xf32, #tpu.memory_space<vmem>>
      %dma_start3A_93 = tpu.memref_squeeze %dma_start3A_92 : memref<1x128xf32, #tpu.memory_space<vmem>> -> memref<128xf32, #tpu.memory_space<vmem>>
      tpu.enqueue_dma source(%dma_start3A_93 : memref<128xf32, #tpu.memory_space<vmem>>) target(%dma_start3A_90 : memref<128xf32, #tpu.memory_space<vmem_shared>>) target_semaphore(%run_scoped3A_86 : memref<!tpu.dma_semaphore, #tpu.memory_space<semaphore_mem>>)
      %dma_wait3A = arith.constant 0 : i32
      %dma_wait3A_94 = tpu.memref_slice %arg6[%run_scoped3A_74, %dma_wait3A] : memref<128x128xf32, #tpu.memory_space<vmem>> -> memref<1x128xf32, #tpu.memory_space<vmem>>
      %dma_wait3A_95 = tpu.memref_squeeze %dma_wait3A_94 : memref<1x128xf32, #tpu.memory_space<vmem>> -> memref<128xf32, #tpu.memory_space<vmem>>
      %dma_wait3A_96 = tpu.memref_slice %arg10[%add3A_73] : memref<10240xf32, #tpu.memory_space<vmem_shared>> -> memref<128xf32, #tpu.memory_space<vmem_shared>>
      %dma_wait3A_97 = tpu.memref_slice %arg10[%add3A_73] : memref<10240xf32, #tpu.memory_space<vmem_shared>> -> memref<128xf32, #tpu.memory_space<vmem_shared>>
      %dma_wait3A_98 = arith.constant 0 : i32
      %dma_wait3A_99 = tpu.memref_slice %arg6[%run_scoped3A_74, %dma_wait3A_98] : memref<128x128xf32, #tpu.memory_space<vmem>> -> memref<1x128xf32, #tpu.memory_space<vmem>>
      %dma_wait3A_100 = tpu.memref_squeeze %dma_wait3A_99 : memref<1x128xf32, #tpu.memory_space<vmem>> -> memref<128xf32, #tpu.memory_space<vmem>>
      tpu.wait_dma2 semaphore(%run_scoped3A_86 : memref<!tpu.dma_semaphore, #tpu.memory_space<semaphore_mem>>) src(%dma_wait3A_100 : memref<128xf32, #tpu.memory_space<vmem>>) dst(%dma_wait3A_97 : memref<128xf32, #tpu.memory_space<vmem_shared>>)
      tpu.yield
    }) : () -> ()
    %barrier3A = arith.constant 0 : index
    tpu.barrier barrier_id(%barrier3A)
    %mul3A_75 = arith.constant 157 : i32
    %mul3A_76 = arith.muli %arg1, %mul3A_75 : i32
    %mul3A_77 = arith.constant 2 : i32
    %mul3A_78 = arith.muli %mul3A_76, %mul3A_77 : i32
    %scan3A_79 = arith.constant 0 : i32
    %scan3A_80 = arith.constant 0 : i32
    %scan3A_81 = arith.constant 157 : i32
    %scan3A_82 = arith.addi %scan3A_80, %scan3A_81 : i32
    %scan3A_83 = arith.constant 1 : i32
    scf.for %scan3A_86 = %scan3A_80 to %scan3A_82 step %scan3A_83  : i32 {
      %mul3A_87 = arith.constant 2 : i32
      %mul3A_88 = arith.muli %mul3A_87, %scan3A_86 : i32
      %add3A_89 = arith.addi %mul3A_78, %mul3A_88 : i32
      "tpu.region"() ({
        %run_scoped3A_104 = tpu.sem_alloc : memref<!tpu.dma_semaphore, #tpu.memory_space<semaphore_mem>>
        %dma_start3A_105 = arith.constant 0 : i32
        %dma_start3A_106 = tpu.memref_slice %arg3[%arg0, %add3A_89, %dma_start3A_105] : memref<2x5024x128xi32, #tpu.memory_space<hbm>> -> memref<1x2x128xi32, #tpu.memory_space<hbm>>
        %dma_start3A_107 = tpu.memref_squeeze %dma_start3A_106 : memref<1x2x128xi32, #tpu.memory_space<hbm>> -> memref<2x128xi32, #tpu.memory_space<hbm>>
        %dma_start3A_108 = arith.constant 0 : i32
        %dma_start3A_109 = tpu.memref_slice %arg3[%arg0, %add3A_89, %dma_start3A_108] : memref<2x5024x128xi32, #tpu.memory_space<hbm>> -> memref<1x2x128xi32, #tpu.memory_space<hbm>>
        %dma_start3A_110 = tpu.memref_squeeze %dma_start3A_109 : memref<1x2x128xi32, #tpu.memory_space<hbm>> -> memref<2x128xi32, #tpu.memory_space<hbm>>
        tpu.enqueue_dma source(%dma_start3A_110 : memref<2x128xi32, #tpu.memory_space<hbm>>) target(%arg7 : memref<2x128xi32, #tpu.memory_space<vmem>>) target_semaphore(%run_scoped3A_104 : memref<!tpu.dma_semaphore, #tpu.memory_space<semaphore_mem>>)
        %dma_wait3A_111 = arith.constant 0 : i32
        %dma_wait3A_112 = tpu.memref_slice %arg3[%arg0, %add3A_89, %dma_wait3A_111] : memref<2x5024x128xi32, #tpu.memory_space<hbm>> -> memref<1x2x128xi32, #tpu.memory_space<hbm>>
        %dma_wait3A_113 = tpu.memref_squeeze %dma_wait3A_112 : memref<1x2x128xi32, #tpu.memory_space<hbm>> -> memref<2x128xi32, #tpu.memory_space<hbm>>
        %dma_wait3A_114 = arith.constant 0 : i32
        %dma_wait3A_115 = tpu.memref_slice %arg3[%arg0, %add3A_89, %dma_wait3A_114] : memref<2x5024x128xi32, #tpu.memory_space<hbm>> -> memref<1x2x128xi32, #tpu.memory_space<hbm>>
        %dma_wait3A_116 = tpu.memref_squeeze %dma_wait3A_115 : memref<1x2x128xi32, #tpu.memory_space<hbm>> -> memref<2x128xi32, #tpu.memory_space<hbm>>
        tpu.wait_dma2 semaphore(%run_scoped3A_104 : memref<!tpu.dma_semaphore, #tpu.memory_space<semaphore_mem>>) src(%dma_wait3A_116 : memref<2x128xi32, #tpu.memory_space<hbm>>) dst(%arg7 : memref<2x128xi32, #tpu.memory_space<vmem>>)
        tpu.yield
      }) : () -> ()
      %dma_start3A = arith.constant 0 : i32
      %dma_start3A_90 = arith.constant 0 : i32
      %dma_start3A_91 = tpu.memref_slice %arg7[%dma_start3A, %dma_start3A_90] : memref<2x128xi32, #tpu.memory_space<vmem>> -> memref<1x128xi32, #tpu.memory_space<vmem>>
      %dma_start3A_92 = tpu.memref_squeeze %dma_start3A_91 : memref<1x128xi32, #tpu.memory_space<vmem>> -> memref<128xi32, #tpu.memory_space<vmem>>
      %dma_start3A_93 = arith.constant 0 : i32
      %dma_start3A_94 = arith.constant 0 : i32
      %dma_start3A_95 = tpu.memref_slice %arg2[%dma_start3A_93, %dma_start3A_94] : memref<20000x128xf32, #tpu.memory_space<hbm>> -> memref<20000x128xf32, #tpu.memory_space<hbm>>
      tpu.enqueue_indirect_dma source(%dma_start3A_95 : memref<20000x128xf32, #tpu.memory_space<hbm>>) target(%arg6 : memref<128x128xf32, #tpu.memory_space<vmem>>) offsets(%dma_start3A_92 : memref<128xi32, #tpu.memory_space<vmem>>) semaphore(%arg11 : memref<!tpu.dma_semaphore, #tpu.memory_space<semaphore_mem>>)
      %dma_wait3A = arith.constant 0 : i32
      %dma_wait3A_96 = arith.constant 0 : i32
      %dma_wait3A_97 = tpu.memref_slice %arg7[%dma_wait3A, %dma_wait3A_96] : memref<2x128xi32, #tpu.memory_space<vmem>> -> memref<1x128xi32, #tpu.memory_space<vmem>>
      %dma_wait3A_98 = tpu.memref_squeeze %dma_wait3A_97 : memref<1x128xi32, #tpu.memory_space<vmem>> -> memref<128xi32, #tpu.memory_space<vmem>>
      %dma_wait3A_99 = arith.constant 0 : i32
      %dma_wait3A_100 = arith.constant 0 : i32
      %dma_wait3A_101 = tpu.memref_slice %arg2[%dma_wait3A_99, %dma_wait3A_100] : memref<20000x128xf32, #tpu.memory_space<hbm>> -> memref<20000x128xf32, #tpu.memory_space<hbm>>
      tpu.wait_indirect_dma semaphore(%arg11 : memref<!tpu.dma_semaphore, #tpu.memory_space<semaphore_mem>>) src(%dma_wait3A_101 : memref<20000x128xf32, #tpu.memory_space<hbm>>) dst(%arg6 : memref<128x128xf32, #tpu.memory_space<vmem>>)
      %run_scoped3A_102 = arith.constant 1 : i32
      "tpu.region"() ({
        %run_scoped3A_104 = tpu.sem_alloc : memref<!tpu.dma_semaphore, #tpu.memory_space<semaphore_mem>>
        %dma_start3A_105 = arith.constant 0 : i32
        %dma_start3A_106 = tpu.memref_slice %arg7[%run_scoped3A_102, %dma_start3A_105] : memref<2x128xi32, #tpu.memory_space<vmem>> -> memref<1x128xi32, #tpu.memory_space<vmem>>
        %dma_start3A_107 = tpu.memref_squeeze %dma_start3A_106 : memref<1x128xi32, #tpu.memory_space<vmem>> -> memref<128xi32, #tpu.memory_space<vmem>>
        %dma_start3A_108 = arith.constant 0 : i32
        %dma_start3A_109 = arith.constant 0 : i32
        %dma_start3A_110 = tpu.memref_slice %arg9[%dma_start3A_108, %dma_start3A_109] : memref<10240x128xf32, #tpu.memory_space<vmem_shared>> -> memref<10240x128xf32, #tpu.memory_space<vmem_shared>>
        tpu.enqueue_indirect_dma source(%arg6 : memref<128x128xf32, #tpu.memory_space<vmem>>) target(%dma_start3A_110 : memref<10240x128xf32, #tpu.memory_space<vmem_shared>>) offsets(%dma_start3A_107 : memref<128xi32, #tpu.memory_space<vmem>>) semaphore(%run_scoped3A_104 : memref<!tpu.dma_semaphore, #tpu.memory_space<semaphore_mem>>) {add = true}
        %dma_wait3A_111 = arith.constant 0 : i32
        %dma_wait3A_112 = tpu.memref_slice %arg7[%run_scoped3A_102, %dma_wait3A_111] : memref<2x128xi32, #tpu.memory_space<vmem>> -> memref<1x128xi32, #tpu.memory_space<vmem>>
        %dma_wait3A_113 = tpu.memref_squeeze %dma_wait3A_112 : memref<1x128xi32, #tpu.memory_space<vmem>> -> memref<128xi32, #tpu.memory_space<vmem>>
        %dma_wait3A_114 = arith.constant 0 : i32
        %dma_wait3A_115 = arith.constant 0 : i32
        %dma_wait3A_116 = tpu.memref_slice %arg9[%dma_wait3A_114, %dma_wait3A_115] : memref<10240x128xf32, #tpu.memory_space<vmem_shared>> -> memref<10240x128xf32, #tpu.memory_space<vmem_shared>>
        tpu.wait_indirect_dma semaphore(%run_scoped3A_104 : memref<!tpu.dma_semaphore, #tpu.memory_space<semaphore_mem>>) src(%arg6 : memref<128x128xf32, #tpu.memory_space<vmem>>) dst(%dma_wait3A_116 : memref<10240x128xf32, #tpu.memory_space<vmem_shared>>)
        tpu.yield
      }) : () -> ()
      %run_scoped3A_103 = arith.constant 1 : i32
      "tpu.region"() ({
        %run_scoped3A_104 = tpu.sem_alloc : memref<!tpu.dma_semaphore, #tpu.memory_space<semaphore_mem>>
        %dma_start3A_105 = arith.constant 0 : i32
        %dma_start3A_106 = tpu.memref_slice %arg7[%run_scoped3A_103, %dma_start3A_105] : memref<2x128xi32, #tpu.memory_space<vmem>> -> memref<1x128xi32, #tpu.memory_space<vmem>>
        %dma_start3A_107 = tpu.memref_squeeze %dma_start3A_106 : memref<1x128xi32, #tpu.memory_space<vmem>> -> memref<128xi32, #tpu.memory_space<vmem>>
        %dma_start3A_108 = arith.constant 0 : i32
        %dma_start3A_109 = tpu.memref_slice %arg10[%dma_start3A_108] : memref<10240xf32, #tpu.memory_space<vmem_shared>> -> memref<10240xf32, #tpu.memory_space<vmem_shared>>
        tpu.enqueue_indirect_dma source(%arg8 : memref<128xf32, #tpu.memory_space<vmem>>) target(%dma_start3A_109 : memref<10240xf32, #tpu.memory_space<vmem_shared>>) offsets(%dma_start3A_107 : memref<128xi32, #tpu.memory_space<vmem>>) semaphore(%run_scoped3A_104 : memref<!tpu.dma_semaphore, #tpu.memory_space<semaphore_mem>>) {add = true}
        %dma_wait3A_110 = arith.constant 0 : i32
        %dma_wait3A_111 = tpu.memref_slice %arg7[%run_scoped3A_103, %dma_wait3A_110] : memref<2x128xi32, #tpu.memory_space<vmem>> -> memref<1x128xi32, #tpu.memory_space<vmem>>
        %dma_wait3A_112 = tpu.memref_squeeze %dma_wait3A_111 : memref<1x128xi32, #tpu.memory_space<vmem>> -> memref<128xi32, #tpu.memory_space<vmem>>
        %dma_wait3A_113 = arith.constant 0 : i32
        %dma_wait3A_114 = tpu.memref_slice %arg10[%dma_wait3A_113] : memref<10240xf32, #tpu.memory_space<vmem_shared>> -> memref<10240xf32, #tpu.memory_space<vmem_shared>>
        tpu.wait_indirect_dma semaphore(%run_scoped3A_104 : memref<!tpu.dma_semaphore, #tpu.memory_space<semaphore_mem>>) src(%arg8 : memref<128xf32, #tpu.memory_space<vmem>>) dst(%dma_wait3A_114 : memref<10240xf32, #tpu.memory_space<vmem_shared>>)
        tpu.yield
      }) : () -> ()
    }
    %scan3A_84 = arith.constant 157 : i32
    %barrier3A_85 = arith.constant 0 : index
    tpu.barrier barrier_id(%barrier3A_85)
    "tpu.region"() ({
      %run_scoped3A_86 = tpu.sem_alloc : memref<!tpu.dma_semaphore, #tpu.memory_space<semaphore_mem>>
      %dma_start3A = arith.constant 0 : i32
      %dma_start3A_87 = tpu.memref_slice %arg4[%arg0, %mul3A_51, %dma_start3A] : memref<2x10240x128xf32, #tpu.memory_space<hbm>> -> memref<1x640x128xf32, #tpu.memory_space<hbm>>
      %dma_start3A_88 = tpu.memref_squeeze %dma_start3A_87 : memref<1x640x128xf32, #tpu.memory_space<hbm>> -> memref<640x128xf32, #tpu.memory_space<hbm>>
      %dma_start3A_89 = arith.constant 0 : i32
      %dma_start3A_90 = tpu.memref_slice %arg9[%mul3A_51, %dma_start3A_89] : memref<10240x128xf32, #tpu.memory_space<vmem_shared>> -> memref<640x128xf32, #tpu.memory_space<vmem_shared>>
      tpu.enqueue_dma source(%dma_start3A_90 : memref<640x128xf32, #tpu.memory_space<vmem_shared>>) target(%dma_start3A_88 : memref<640x128xf32, #tpu.memory_space<hbm>>) target_semaphore(%run_scoped3A_86 : memref<!tpu.dma_semaphore, #tpu.memory_space<semaphore_mem>>)
      %dma_wait3A = arith.constant 0 : i32
      %dma_wait3A_91 = tpu.memref_slice %arg4[%arg0, %mul3A_51, %dma_wait3A] : memref<2x10240x128xf32, #tpu.memory_space<hbm>> -> memref<1x640x128xf32, #tpu.memory_space<hbm>>
      %dma_wait3A_92 = tpu.memref_squeeze %dma_wait3A_91 : memref<1x640x128xf32, #tpu.memory_space<hbm>> -> memref<640x128xf32, #tpu.memory_space<hbm>>
      %dma_wait3A_93 = arith.constant 0 : i32
      %dma_wait3A_94 = tpu.memref_slice %arg9[%mul3A_51, %dma_wait3A_93] : memref<10240x128xf32, #tpu.memory_space<vmem_shared>> -> memref<640x128xf32, #tpu.memory_space<vmem_shared>>
      tpu.wait_dma2 semaphore(%run_scoped3A_86 : memref<!tpu.dma_semaphore, #tpu.memory_space<semaphore_mem>>) src(%dma_wait3A_94 : memref<640x128xf32, #tpu.memory_space<vmem_shared>>) dst(%dma_wait3A_92 : memref<640x128xf32, #tpu.memory_space<hbm>>)
      tpu.yield
    }) : () -> ()
    "tpu.region"() ({
      %run_scoped3A_86 = tpu.sem_alloc : memref<!tpu.dma_semaphore, #tpu.memory_space<semaphore_mem>>
      %dma_start3A = tpu.memref_slice %arg5[%arg0, %mul3A_51] : memref<2x10240xf32, #tpu.memory_space<hbm>> -> memref<1x640xf32, #tpu.memory_space<hbm>>
      %dma_start3A_87 = tpu.memref_squeeze %dma_start3A : memref<1x640xf32, #tpu.memory_space<hbm>> -> memref<640xf32, #tpu.memory_space<hbm>>
      %dma_start3A_88 = tpu.memref_slice %arg10[%mul3A_51] : memref<10240xf32, #tpu.memory_space<vmem_shared>> -> memref<640xf32, #tpu.memory_space<vmem_shared>>
      tpu.enqueue_dma source(%dma_start3A_88 : memref<640xf32, #tpu.memory_space<vmem_shared>>) target(%dma_start3A_87 : memref<640xf32, #tpu.memory_space<hbm>>) target_semaphore(%run_scoped3A_86 : memref<!tpu.dma_semaphore, #tpu.memory_space<semaphore_mem>>)
      %dma_wait3A = tpu.memref_slice %arg5[%arg0, %mul3A_51] : memref<2x10240xf32, #tpu.memory_space<hbm>> -> memref<1x640xf32, #tpu.memory_space<hbm>>
      %dma_wait3A_89 = tpu.memref_squeeze %dma_wait3A : memref<1x640xf32, #tpu.memory_space<hbm>> -> memref<640xf32, #tpu.memory_space<hbm>>
      %dma_wait3A_90 = tpu.memref_slice %arg10[%mul3A_51] : memref<10240xf32, #tpu.memory_space<vmem_shared>> -> memref<640xf32, #tpu.memory_space<vmem_shared>>
      tpu.wait_dma2 semaphore(%run_scoped3A_86 : memref<!tpu.dma_semaphore, #tpu.memory_space<semaphore_mem>>) src(%dma_wait3A_90 : memref<640xf32, #tpu.memory_space<vmem_shared>>) dst(%dma_wait3A_89 : memref<640xf32, #tpu.memory_space<hbm>>)
      tpu.yield
    }) : () -> ()
    return
  }
}

#map = affine_map<(d0, d1) -> (0, 0)>
#map1 = affine_map<(d0, d1) -> (0, 0, 0)>
module attributes {stable_mosaic.version = 14 : i64} {
  func.func @k(%arg0: i32, %arg1: i32, %arg2: memref<20000x128xf32, #tpu.memory_space<hbm>>, %arg3: memref<2x5024x128xi32, #tpu.memory_space<hbm>>, %arg4: memref<2x10240x128xf32, #tpu.memory_space<hbm>>, %arg5: memref<128x128xf32, #tpu.memory_space<vmem>>, %arg6: memref<2x128xi32, #tpu.memory_space<vmem>>, %arg7: memref<128xf32, #tpu.memory_space<vmem>>, %arg8: memref<10240x128xf32, #tpu.memory_space<vmem_shared>>, %arg9: memref<10240xf32, #tpu.memory_space<vmem_shared>>, %arg10: memref<!tpu.dma_semaphore, #tpu.memory_space<semaphore_mem>>) attributes {dimension_semantics = [#tpu.dimension_semantics<core_parallel>, #tpu.dimension_semantics<subcore_parallel>], iteration_bounds = array<i64: 2, 16>, scalar_prefetch = 0 : i64, scratch_operands = 6 : i64, tpu.core_type = #tpu.core_type<sc_vector_subcore>, window_params = [{transform_indices = #map}, {transform_indices = #map1}, {transform_indices = #map1}]} {
    %scan3A = arith.constant 0 : i32
    %scan3A_0 = arith.constant 0 : i32
    %scan3A_1 = arith.constant 128 : i32
    %scan3A_2 = arith.addi %scan3A_0, %scan3A_1 : i32
    %scan3A_3 = arith.constant 1 : i32
    scf.for %scan3A_26 = %scan3A_0 to %scan3A_2 step %scan3A_3  : i32 {
      %broadcast_in_dim3A = arith.constant 0.000000e+00 : f32
      %broadcast_in_dim3A_27 = vector.broadcast %broadcast_in_dim3A : f32 to vector<16xf32>
      %swap3A = arith.index_cast %scan3A_26 : i32 to index
      %swap3A_28 = arith.constant 0 : index
      %swap3A_29 = tpu.vector_load %arg5[%swap3A, %swap3A_28] {strides = array<i32>} : memref<128x128xf32, #tpu.memory_space<vmem>>, vector<1x16xf32>,
      %swap3A_30 = vector.shape_cast %swap3A_29 : vector<1x16xf32> to vector<16xf32>
      %swap3A_31 = vector.shape_cast %broadcast_in_dim3A_27 : vector<16xf32> to vector<1x16xf32>
      tpu.vector_store %arg5[%swap3A, %swap3A_28], %swap3A_31 {strides = array<i32>} : memref<128x128xf32, #tpu.memory_space<vmem>>, vector<1x16xf32>,
      %broadcast_in_dim3A_32 = arith.constant 0.000000e+00 : f32
      %broadcast_in_dim3A_33 = vector.broadcast %broadcast_in_dim3A_32 : f32 to vector<16xf32>
      %swap3A_34 = arith.index_cast %scan3A_26 : i32 to index
      %swap3A_35 = arith.constant 16 : index
      %swap3A_36 = tpu.vector_load %arg5[%swap3A_34, %swap3A_35] {strides = array<i32>} : memref<128x128xf32, #tpu.memory_space<vmem>>, vector<1x16xf32>,
      %swap3A_37 = vector.shape_cast %swap3A_36 : vector<1x16xf32> to vector<16xf32>
      %swap3A_38 = vector.shape_cast %broadcast_in_dim3A_33 : vector<16xf32> to vector<1x16xf32>
      tpu.vector_store %arg5[%swap3A_34, %swap3A_35], %swap3A_38 {strides = array<i32>} : memref<128x128xf32, #tpu.memory_space<vmem>>, vector<1x16xf32>,
      %broadcast_in_dim3A_39 = arith.constant 0.000000e+00 : f32
      %broadcast_in_dim3A_40 = vector.broadcast %broadcast_in_dim3A_39 : f32 to vector<16xf32>
      %swap3A_41 = arith.index_cast %scan3A_26 : i32 to index
      %swap3A_42 = arith.constant 32 : index
      %swap3A_43 = tpu.vector_load %arg5[%swap3A_41, %swap3A_42] {strides = array<i32>} : memref<128x128xf32, #tpu.memory_space<vmem>>, vector<1x16xf32>,
      %swap3A_44 = vector.shape_cast %swap3A_43 : vector<1x16xf32> to vector<16xf32>
      %swap3A_45 = vector.shape_cast %broadcast_in_dim3A_40 : vector<16xf32> to vector<1x16xf32>
      tpu.vector_store %arg5[%swap3A_41, %swap3A_42], %swap3A_45 {strides = array<i32>} : memref<128x128xf32, #tpu.memory_space<vmem>>, vector<1x16xf32>,
      %broadcast_in_dim3A_46 = arith.constant 0.000000e+00 : f32
      %broadcast_in_dim3A_47 = vector.broadcast %broadcast_in_dim3A_46 : f32 to vector<16xf32>
      %swap3A_48 = arith.index_cast %scan3A_26 : i32 to index
      %swap3A_49 = arith.constant 48 : index
      %swap3A_50 = tpu.vector_load %arg5[%swap3A_48, %swap3A_49] {strides = array<i32>} : memref<128x128xf32, #tpu.memory_space<vmem>>, vector<1x16xf32>,
      %swap3A_51 = vector.shape_cast %swap3A_50 : vector<1x16xf32> to vector<16xf32>
      %swap3A_52 = vector.shape_cast %broadcast_in_dim3A_47 : vector<16xf32> to vector<1x16xf32>
      tpu.vector_store %arg5[%swap3A_48, %swap3A_49], %swap3A_52 {strides = array<i32>} : memref<128x128xf32, #tpu.memory_space<vmem>>, vector<1x16xf32>,
      %broadcast_in_dim3A_53 = arith.constant 0.000000e+00 : f32
      %broadcast_in_dim3A_54 = vector.broadcast %broadcast_in_dim3A_53 : f32 to vector<16xf32>
      %swap3A_55 = arith.index_cast %scan3A_26 : i32 to index
      %swap3A_56 = arith.constant 64 : index
      %swap3A_57 = tpu.vector_load %arg5[%swap3A_55, %swap3A_56] {strides = array<i32>} : memref<128x128xf32, #tpu.memory_space<vmem>>, vector<1x16xf32>,
      %swap3A_58 = vector.shape_cast %swap3A_57 : vector<1x16xf32> to vector<16xf32>
      %swap3A_59 = vector.shape_cast %broadcast_in_dim3A_54 : vector<16xf32> to vector<1x16xf32>
      tpu.vector_store %arg5[%swap3A_55, %swap3A_56], %swap3A_59 {strides = array<i32>} : memref<128x128xf32, #tpu.memory_space<vmem>>, vector<1x16xf32>,
      %broadcast_in_dim3A_60 = arith.constant 0.000000e+00 : f32
      %broadcast_in_dim3A_61 = vector.broadcast %broadcast_in_dim3A_60 : f32 to vector<16xf32>
      %swap3A_62 = arith.index_cast %scan3A_26 : i32 to index
      %swap3A_63 = arith.constant 80 : index
      %swap3A_64 = tpu.vector_load %arg5[%swap3A_62, %swap3A_63] {strides = array<i32>} : memref<128x128xf32, #tpu.memory_space<vmem>>, vector<1x16xf32>,
      %swap3A_65 = vector.shape_cast %swap3A_64 : vector<1x16xf32> to vector<16xf32>
      %swap3A_66 = vector.shape_cast %broadcast_in_dim3A_61 : vector<16xf32> to vector<1x16xf32>
      tpu.vector_store %arg5[%swap3A_62, %swap3A_63], %swap3A_66 {strides = array<i32>} : memref<128x128xf32, #tpu.memory_space<vmem>>, vector<1x16xf32>,
      %broadcast_in_dim3A_67 = arith.constant 0.000000e+00 : f32
      %broadcast_in_dim3A_68 = vector.broadcast %broadcast_in_dim3A_67 : f32 to vector<16xf32>
      %swap3A_69 = arith.index_cast %scan3A_26 : i32 to index
      %swap3A_70 = arith.constant 96 : index
      %swap3A_71 = tpu.vector_load %arg5[%swap3A_69, %swap3A_70] {strides = array<i32>} : memref<128x128xf32, #tpu.memory_space<vmem>>, vector<1x16xf32>,
      %swap3A_72 = vector.shape_cast %swap3A_71 : vector<1x16xf32> to vector<16xf32>
      %swap3A_73 = vector.shape_cast %broadcast_in_dim3A_68 : vector<16xf32> to vector<1x16xf32>
      tpu.vector_store %arg5[%swap3A_69, %swap3A_70], %swap3A_73 {strides = array<i32>} : memref<128x128xf32, #tpu.memory_space<vmem>>, vector<1x16xf32>,
      %broadcast_in_dim3A_74 = arith.constant 0.000000e+00 : f32
      %broadcast_in_dim3A_75 = vector.broadcast %broadcast_in_dim3A_74 : f32 to vector<16xf32>
      %swap3A_76 = arith.index_cast %scan3A_26 : i32 to index
      %swap3A_77 = arith.constant 112 : index
      %swap3A_78 = tpu.vector_load %arg5[%swap3A_76, %swap3A_77] {strides = array<i32>} : memref<128x128xf32, #tpu.memory_space<vmem>>, vector<1x16xf32>,
      %swap3A_79 = vector.shape_cast %swap3A_78 : vector<1x16xf32> to vector<16xf32>
      %swap3A_80 = vector.shape_cast %broadcast_in_dim3A_75 : vector<16xf32> to vector<1x16xf32>
      tpu.vector_store %arg5[%swap3A_76, %swap3A_77], %swap3A_80 {strides = array<i32>} : memref<128x128xf32, #tpu.memory_space<vmem>>, vector<1x16xf32>,
    }
    %scan3A_4 = arith.constant 128 : i32
    %mul3A = arith.constant 640 : i32
    %mul3A_5 = arith.muli %arg1, %mul3A : i32
    %add3A = arith.constant 0 : i32
    %add3A_6 = arith.addi %mul3A_5, %add3A : i32
    "tpu.region"() ({
      %run_scoped3A = tpu.sem_alloc : memref<!tpu.dma_semaphore, #tpu.memory_space<semaphore_mem>>
      %dma_start3A = arith.constant 0 : i32
      %dma_start3A_26 = tpu.memref_slice %arg8[%add3A_6, %dma_start3A] : memref<10240x128xf32, #tpu.memory_space<vmem_shared>> -> memref<128x128xf32, #tpu.memory_space<vmem_shared>>
      %dma_start3A_27 = arith.constant 0 : i32
      %dma_start3A_28 = tpu.memref_slice %arg8[%add3A_6, %dma_start3A_27] : memref<10240x128xf32, #tpu.memory_space<vmem_shared>> -> memref<128x128xf32, #tpu.memory_space<vmem_shared>>
      tpu.enqueue_dma source(%arg5 : memref<128x128xf32, #tpu.memory_space<vmem>>) target(%dma_start3A_28 : memref<128x128xf32, #tpu.memory_space<vmem_shared>>) target_semaphore(%run_scoped3A : memref<!tpu.dma_semaphore, #tpu.memory_space<semaphore_mem>>)
      %dma_wait3A = arith.constant 0 : i32
      %dma_wait3A_29 = tpu.memref_slice %arg8[%add3A_6, %dma_wait3A] : memref<10240x128xf32, #tpu.memory_space<vmem_shared>> -> memref<128x128xf32, #tpu.memory_space<vmem_shared>>
      %dma_wait3A_30 = arith.constant 0 : i32
      %dma_wait3A_31 = tpu.memref_slice %arg8[%add3A_6, %dma_wait3A_30] : memref<10240x128xf32, #tpu.memory_space<vmem_shared>> -> memref<128x128xf32, #tpu.memory_space<vmem_shared>>
      tpu.wait_dma2 semaphore(%run_scoped3A : memref<!tpu.dma_semaphore, #tpu.memory_space<semaphore_mem>>) src(%arg5 : memref<128x128xf32, #tpu.memory_space<vmem>>) dst(%dma_wait3A_31 : memref<128x128xf32, #tpu.memory_space<vmem_shared>>)
      tpu.yield
    }) : () -> ()
    %add3A_7 = arith.constant 128 : i32
    %add3A_8 = arith.addi %mul3A_5, %add3A_7 : i32
    "tpu.region"() ({
      %run_scoped3A = tpu.sem_alloc : memref<!tpu.dma_semaphore, #tpu.memory_space<semaphore_mem>>
      %dma_start3A = arith.constant 0 : i32
      %dma_start3A_26 = tpu.memref_slice %arg8[%add3A_8, %dma_start3A] : memref<10240x128xf32, #tpu.memory_space<vmem_shared>> -> memref<128x128xf32, #tpu.memory_space<vmem_shared>>
      %dma_start3A_27 = arith.constant 0 : i32
      %dma_start3A_28 = tpu.memref_slice %arg8[%add3A_8, %dma_start3A_27] : memref<10240x128xf32, #tpu.memory_space<vmem_shared>> -> memref<128x128xf32, #tpu.memory_space<vmem_shared>>
      tpu.enqueue_dma source(%arg5 : memref<128x128xf32, #tpu.memory_space<vmem>>) target(%dma_start3A_28 : memref<128x128xf32, #tpu.memory_space<vmem_shared>>) target_semaphore(%run_scoped3A : memref<!tpu.dma_semaphore, #tpu.memory_space<semaphore_mem>>)
      %dma_wait3A = arith.constant 0 : i32
      %dma_wait3A_29 = tpu.memref_slice %arg8[%add3A_8, %dma_wait3A] : memref<10240x128xf32, #tpu.memory_space<vmem_shared>> -> memref<128x128xf32, #tpu.memory_space<vmem_shared>>
      %dma_wait3A_30 = arith.constant 0 : i32
      %dma_wait3A_31 = tpu.memref_slice %arg8[%add3A_8, %dma_wait3A_30] : memref<10240x128xf32, #tpu.memory_space<vmem_shared>> -> memref<128x128xf32, #tpu.memory_space<vmem_shared>>
      tpu.wait_dma2 semaphore(%run_scoped3A : memref<!tpu.dma_semaphore, #tpu.memory_space<semaphore_mem>>) src(%arg5 : memref<128x128xf32, #tpu.memory_space<vmem>>) dst(%dma_wait3A_31 : memref<128x128xf32, #tpu.memory_space<vmem_shared>>)
      tpu.yield
    }) : () -> ()
    %add3A_9 = arith.constant 256 : i32
    %add3A_10 = arith.addi %mul3A_5, %add3A_9 : i32
    "tpu.region"() ({
      %run_scoped3A = tpu.sem_alloc : memref<!tpu.dma_semaphore, #tpu.memory_space<semaphore_mem>>
      %dma_start3A = arith.constant 0 : i32
      %dma_start3A_26 = tpu.memref_slice %arg8[%add3A_10, %dma_start3A] : memref<10240x128xf32, #tpu.memory_space<vmem_shared>> -> memref<128x128xf32, #tpu.memory_space<vmem_shared>>
      %dma_start3A_27 = arith.constant 0 : i32
      %dma_start3A_28 = tpu.memref_slice %arg8[%add3A_10, %dma_start3A_27] : memref<10240x128xf32, #tpu.memory_space<vmem_shared>> -> memref<128x128xf32, #tpu.memory_space<vmem_shared>>
      tpu.enqueue_dma source(%arg5 : memref<128x128xf32, #tpu.memory_space<vmem>>) target(%dma_start3A_28 : memref<128x128xf32, #tpu.memory_space<vmem_shared>>) target_semaphore(%run_scoped3A : memref<!tpu.dma_semaphore, #tpu.memory_space<semaphore_mem>>)
      %dma_wait3A = arith.constant 0 : i32
      %dma_wait3A_29 = tpu.memref_slice %arg8[%add3A_10, %dma_wait3A] : memref<10240x128xf32, #tpu.memory_space<vmem_shared>> -> memref<128x128xf32, #tpu.memory_space<vmem_shared>>
      %dma_wait3A_30 = arith.constant 0 : i32
      %dma_wait3A_31 = tpu.memref_slice %arg8[%add3A_10, %dma_wait3A_30] : memref<10240x128xf32, #tpu.memory_space<vmem_shared>> -> memref<128x128xf32, #tpu.memory_space<vmem_shared>>
      tpu.wait_dma2 semaphore(%run_scoped3A : memref<!tpu.dma_semaphore, #tpu.memory_space<semaphore_mem>>) src(%arg5 : memref<128x128xf32, #tpu.memory_space<vmem>>) dst(%dma_wait3A_31 : memref<128x128xf32, #tpu.memory_space<vmem_shared>>)
      tpu.yield
    }) : () -> ()
    %add3A_11 = arith.constant 384 : i32
    %add3A_12 = arith.addi %mul3A_5, %add3A_11 : i32
    "tpu.region"() ({
      %run_scoped3A = tpu.sem_alloc : memref<!tpu.dma_semaphore, #tpu.memory_space<semaphore_mem>>
      %dma_start3A = arith.constant 0 : i32
      %dma_start3A_26 = tpu.memref_slice %arg8[%add3A_12, %dma_start3A] : memref<10240x128xf32, #tpu.memory_space<vmem_shared>> -> memref<128x128xf32, #tpu.memory_space<vmem_shared>>
      %dma_start3A_27 = arith.constant 0 : i32
      %dma_start3A_28 = tpu.memref_slice %arg8[%add3A_12, %dma_start3A_27] : memref<10240x128xf32, #tpu.memory_space<vmem_shared>> -> memref<128x128xf32, #tpu.memory_space<vmem_shared>>
      tpu.enqueue_dma source(%arg5 : memref<128x128xf32, #tpu.memory_space<vmem>>) target(%dma_start3A_28 : memref<128x128xf32, #tpu.memory_space<vmem_shared>>) target_semaphore(%run_scoped3A : memref<!tpu.dma_semaphore, #tpu.memory_space<semaphore_mem>>)
      %dma_wait3A = arith.constant 0 : i32
      %dma_wait3A_29 = tpu.memref_slice %arg8[%add3A_12, %dma_wait3A] : memref<10240x128xf32, #tpu.memory_space<vmem_shared>> -> memref<128x128xf32, #tpu.memory_space<vmem_shared>>
      %dma_wait3A_30 = arith.constant 0 : i32
      %dma_wait3A_31 = tpu.memref_slice %arg8[%add3A_12, %dma_wait3A_30] : memref<10240x128xf32, #tpu.memory_space<vmem_shared>> -> memref<128x128xf32, #tpu.memory_space<vmem_shared>>
      tpu.wait_dma2 semaphore(%run_scoped3A : memref<!tpu.dma_semaphore, #tpu.memory_space<semaphore_mem>>) src(%arg5 : memref<128x128xf32, #tpu.memory_space<vmem>>) dst(%dma_wait3A_31 : memref<128x128xf32, #tpu.memory_space<vmem_shared>>)
      tpu.yield
    }) : () -> ()
    %add3A_13 = arith.constant 512 : i32
    %add3A_14 = arith.addi %mul3A_5, %add3A_13 : i32
    "tpu.region"() ({
      %run_scoped3A = tpu.sem_alloc : memref<!tpu.dma_semaphore, #tpu.memory_space<semaphore_mem>>
      %dma_start3A = arith.constant 0 : i32
      %dma_start3A_26 = tpu.memref_slice %arg8[%add3A_14, %dma_start3A] : memref<10240x128xf32, #tpu.memory_space<vmem_shared>> -> memref<128x128xf32, #tpu.memory_space<vmem_shared>>
      %dma_start3A_27 = arith.constant 0 : i32
      %dma_start3A_28 = tpu.memref_slice %arg8[%add3A_14, %dma_start3A_27] : memref<10240x128xf32, #tpu.memory_space<vmem_shared>> -> memref<128x128xf32, #tpu.memory_space<vmem_shared>>
      tpu.enqueue_dma source(%arg5 : memref<128x128xf32, #tpu.memory_space<vmem>>) target(%dma_start3A_28 : memref<128x128xf32, #tpu.memory_space<vmem_shared>>) target_semaphore(%run_scoped3A : memref<!tpu.dma_semaphore, #tpu.memory_space<semaphore_mem>>)
      %dma_wait3A = arith.constant 0 : i32
      %dma_wait3A_29 = tpu.memref_slice %arg8[%add3A_14, %dma_wait3A] : memref<10240x128xf32, #tpu.memory_space<vmem_shared>> -> memref<128x128xf32, #tpu.memory_space<vmem_shared>>
      %dma_wait3A_30 = arith.constant 0 : i32
      %dma_wait3A_31 = tpu.memref_slice %arg8[%add3A_14, %dma_wait3A_30] : memref<10240x128xf32, #tpu.memory_space<vmem_shared>> -> memref<128x128xf32, #tpu.memory_space<vmem_shared>>
      tpu.wait_dma2 semaphore(%run_scoped3A : memref<!tpu.dma_semaphore, #tpu.memory_space<semaphore_mem>>) src(%arg5 : memref<128x128xf32, #tpu.memory_space<vmem>>) dst(%dma_wait3A_31 : memref<128x128xf32, #tpu.memory_space<vmem_shared>>)
      tpu.yield
    }) : () -> ()
    %barrier3A = arith.constant 0 : index
    tpu.barrier barrier_id(%barrier3A)
    %mul3A_15 = arith.constant 157 : i32
    %mul3A_16 = arith.muli %arg1, %mul3A_15 : i32
    %mul3A_17 = arith.constant 2 : i32
    %mul3A_18 = arith.muli %mul3A_16, %mul3A_17 : i32
    %scan3A_19 = arith.constant 0 : i32
    %scan3A_20 = arith.constant 0 : i32
    %scan3A_21 = arith.constant 157 : i32
    %scan3A_22 = arith.addi %scan3A_20, %scan3A_21 : i32
    %scan3A_23 = arith.constant 1 : i32
    scf.for %scan3A_26 = %scan3A_20 to %scan3A_22 step %scan3A_23  : i32 {
      %mul3A_27 = arith.constant 2 : i32
      %mul3A_28 = arith.muli %mul3A_27, %scan3A_26 : i32
      %add3A_29 = arith.addi %mul3A_18, %mul3A_28 : i32
      "tpu.region"() ({
        %run_scoped3A_42 = tpu.sem_alloc : memref<!tpu.dma_semaphore, #tpu.memory_space<semaphore_mem>>
        %dma_start3A_43 = arith.constant 0 : i32
        %dma_start3A_44 = tpu.memref_slice %arg3[%arg0, %add3A_29, %dma_start3A_43] : memref<2x5024x128xi32, #tpu.memory_space<hbm>> -> memref<1x2x128xi32, #tpu.memory_space<hbm>>
        %dma_start3A_45 = tpu.memref_squeeze %dma_start3A_44 : memref<1x2x128xi32, #tpu.memory_space<hbm>> -> memref<2x128xi32, #tpu.memory_space<hbm>>
        %dma_start3A_46 = arith.constant 0 : i32
        %dma_start3A_47 = tpu.memref_slice %arg3[%arg0, %add3A_29, %dma_start3A_46] : memref<2x5024x128xi32, #tpu.memory_space<hbm>> -> memref<1x2x128xi32, #tpu.memory_space<hbm>>
        %dma_start3A_48 = tpu.memref_squeeze %dma_start3A_47 : memref<1x2x128xi32, #tpu.memory_space<hbm>> -> memref<2x128xi32, #tpu.memory_space<hbm>>
        tpu.enqueue_dma source(%dma_start3A_48 : memref<2x128xi32, #tpu.memory_space<hbm>>) target(%arg6 : memref<2x128xi32, #tpu.memory_space<vmem>>) target_semaphore(%run_scoped3A_42 : memref<!tpu.dma_semaphore, #tpu.memory_space<semaphore_mem>>)
        %dma_wait3A_49 = arith.constant 0 : i32
        %dma_wait3A_50 = tpu.memref_slice %arg3[%arg0, %add3A_29, %dma_wait3A_49] : memref<2x5024x128xi32, #tpu.memory_space<hbm>> -> memref<1x2x128xi32, #tpu.memory_space<hbm>>
        %dma_wait3A_51 = tpu.memref_squeeze %dma_wait3A_50 : memref<1x2x128xi32, #tpu.memory_space<hbm>> -> memref<2x128xi32, #tpu.memory_space<hbm>>
        %dma_wait3A_52 = arith.constant 0 : i32
        %dma_wait3A_53 = tpu.memref_slice %arg3[%arg0, %add3A_29, %dma_wait3A_52] : memref<2x5024x128xi32, #tpu.memory_space<hbm>> -> memref<1x2x128xi32, #tpu.memory_space<hbm>>
        %dma_wait3A_54 = tpu.memref_squeeze %dma_wait3A_53 : memref<1x2x128xi32, #tpu.memory_space<hbm>> -> memref<2x128xi32, #tpu.memory_space<hbm>>
        tpu.wait_dma2 semaphore(%run_scoped3A_42 : memref<!tpu.dma_semaphore, #tpu.memory_space<semaphore_mem>>) src(%dma_wait3A_54 : memref<2x128xi32, #tpu.memory_space<hbm>>) dst(%arg6 : memref<2x128xi32, #tpu.memory_space<vmem>>)
        tpu.yield
      }) : () -> ()
      %dma_start3A = arith.constant 0 : i32
      %dma_start3A_30 = arith.constant 0 : i32
      %dma_start3A_31 = tpu.memref_slice %arg6[%dma_start3A, %dma_start3A_30] : memref<2x128xi32, #tpu.memory_space<vmem>> -> memref<1x128xi32, #tpu.memory_space<vmem>>
      %dma_start3A_32 = tpu.memref_squeeze %dma_start3A_31 : memref<1x128xi32, #tpu.memory_space<vmem>> -> memref<128xi32, #tpu.memory_space<vmem>>
      %dma_start3A_33 = arith.constant 0 : i32
      %dma_start3A_34 = arith.constant 0 : i32
      %dma_start3A_35 = tpu.memref_slice %arg2[%dma_start3A_33, %dma_start3A_34] : memref<20000x128xf32, #tpu.memory_space<hbm>> -> memref<20000x128xf32, #tpu.memory_space<hbm>>
      tpu.enqueue_indirect_dma source(%dma_start3A_35 : memref<20000x128xf32, #tpu.memory_space<hbm>>) target(%arg5 : memref<128x128xf32, #tpu.memory_space<vmem>>) offsets(%dma_start3A_32 : memref<128xi32, #tpu.memory_space<vmem>>) semaphore(%arg10 : memref<!tpu.dma_semaphore, #tpu.memory_space<semaphore_mem>>)
      %dma_wait3A = arith.constant 0 : i32
      %dma_wait3A_36 = arith.constant 0 : i32
      %dma_wait3A_37 = tpu.memref_slice %arg6[%dma_wait3A, %dma_wait3A_36] : memref<2x128xi32, #tpu.memory_space<vmem>> -> memref<1x128xi32, #tpu.memory_space<vmem>>
      %dma_wait3A_38 = tpu.memref_squeeze %dma_wait3A_37 : memref<1x128xi32, #tpu.memory_space<vmem>> -> memref<128xi32, #tpu.memory_space<vmem>>
      %dma_wait3A_39 = arith.constant 0 : i32
      %dma_wait3A_40 = arith.constant 0 : i32
      %dma_wait3A_41 = tpu.memref_slice %arg2[%dma_wait3A_39, %dma_wait3A_40] : memref<20000x128xf32, #tpu.memory_space<hbm>> -> memref<20000x128xf32, #tpu.memory_space<hbm>>
      tpu.wait_indirect_dma semaphore(%arg10 : memref<!tpu.dma_semaphore, #tpu.memory_space<semaphore_mem>>) src(%dma_wait3A_41 : memref<20000x128xf32, #tpu.memory_space<hbm>>) dst(%arg5 : memref<128x128xf32, #tpu.memory_space<vmem>>)
      %run_scoped3A = arith.constant 1 : i32
      "tpu.region"() ({
        %run_scoped3A_42 = tpu.sem_alloc : memref<!tpu.dma_semaphore, #tpu.memory_space<semaphore_mem>>
        %dma_start3A_43 = arith.constant 0 : i32
        %dma_start3A_44 = tpu.memref_slice %arg6[%run_scoped3A, %dma_start3A_43] : memref<2x128xi32, #tpu.memory_space<vmem>> -> memref<1x128xi32, #tpu.memory_space<vmem>>
        %dma_start3A_45 = tpu.memref_squeeze %dma_start3A_44 : memref<1x128xi32, #tpu.memory_space<vmem>> -> memref<128xi32, #tpu.memory_space<vmem>>
        %dma_start3A_46 = arith.constant 0 : i32
        %dma_start3A_47 = arith.constant 0 : i32
        %dma_start3A_48 = tpu.memref_slice %arg8[%dma_start3A_46, %dma_start3A_47] : memref<10240x128xf32, #tpu.memory_space<vmem_shared>> -> memref<10240x128xf32, #tpu.memory_space<vmem_shared>>
        tpu.enqueue_indirect_dma source(%arg5 : memref<128x128xf32, #tpu.memory_space<vmem>>) target(%dma_start3A_48 : memref<10240x128xf32, #tpu.memory_space<vmem_shared>>) offsets(%dma_start3A_45 : memref<128xi32, #tpu.memory_space<vmem>>) semaphore(%run_scoped3A_42 : memref<!tpu.dma_semaphore, #tpu.memory_space<semaphore_mem>>) {add = true}
        %dma_wait3A_49 = arith.constant 0 : i32
        %dma_wait3A_50 = tpu.memref_slice %arg6[%run_scoped3A, %dma_wait3A_49] : memref<2x128xi32, #tpu.memory_space<vmem>> -> memref<1x128xi32, #tpu.memory_space<vmem>>
        %dma_wait3A_51 = tpu.memref_squeeze %dma_wait3A_50 : memref<1x128xi32, #tpu.memory_space<vmem>> -> memref<128xi32, #tpu.memory_space<vmem>>
        %dma_wait3A_52 = arith.constant 0 : i32
        %dma_wait3A_53 = arith.constant 0 : i32
        %dma_wait3A_54 = tpu.memref_slice %arg8[%dma_wait3A_52, %dma_wait3A_53] : memref<10240x128xf32, #tpu.memory_space<vmem_shared>> -> memref<10240x128xf32, #tpu.memory_space<vmem_shared>>
        tpu.wait_indirect_dma semaphore(%run_scoped3A_42 : memref<!tpu.dma_semaphore, #tpu.memory_space<semaphore_mem>>) src(%arg5 : memref<128x128xf32, #tpu.memory_space<vmem>>) dst(%dma_wait3A_54 : memref<10240x128xf32, #tpu.memory_space<vmem_shared>>)
        tpu.yield
      }) : () -> ()
    }
    %scan3A_24 = arith.constant 157 : i32
    %barrier3A_25 = arith.constant 0 : index
    tpu.barrier barrier_id(%barrier3A_25)
    "tpu.region"() ({
      %run_scoped3A = tpu.sem_alloc : memref<!tpu.dma_semaphore, #tpu.memory_space<semaphore_mem>>
      %dma_start3A = arith.constant 0 : i32
      %dma_start3A_26 = tpu.memref_slice %arg4[%arg0, %mul3A_5, %dma_start3A] : memref<2x10240x128xf32, #tpu.memory_space<hbm>> -> memref<1x640x128xf32, #tpu.memory_space<hbm>>
      %dma_start3A_27 = tpu.memref_squeeze %dma_start3A_26 : memref<1x640x128xf32, #tpu.memory_space<hbm>> -> memref<640x128xf32, #tpu.memory_space<hbm>>
      %dma_start3A_28 = arith.constant 0 : i32
      %dma_start3A_29 = tpu.memref_slice %arg8[%mul3A_5, %dma_start3A_28] : memref<10240x128xf32, #tpu.memory_space<vmem_shared>> -> memref<640x128xf32, #tpu.memory_space<vmem_shared>>
      tpu.enqueue_dma source(%dma_start3A_29 : memref<640x128xf32, #tpu.memory_space<vmem_shared>>) target(%dma_start3A_27 : memref<640x128xf32, #tpu.memory_space<hbm>>) target_semaphore(%run_scoped3A : memref<!tpu.dma_semaphore, #tpu.memory_space<semaphore_mem>>)
      %dma_wait3A = arith.constant 0 : i32
      %dma_wait3A_30 = tpu.memref_slice %arg4[%arg0, %mul3A_5, %dma_wait3A] : memref<2x10240x128xf32, #tpu.memory_space<hbm>> -> memref<1x640x128xf32, #tpu.memory_space<hbm>>
      %dma_wait3A_31 = tpu.memref_squeeze %dma_wait3A_30 : memref<1x640x128xf32, #tpu.memory_space<hbm>> -> memref<640x128xf32, #tpu.memory_space<hbm>>
      %dma_wait3A_32 = arith.constant 0 : i32
      %dma_wait3A_33 = tpu.memref_slice %arg8[%mul3A_5, %dma_wait3A_32] : memref<10240x128xf32, #tpu.memory_space<vmem_shared>> -> memref<640x128xf32, #tpu.memory_space<vmem_shared>>
      tpu.wait_dma2 semaphore(%run_scoped3A : memref<!tpu.dma_semaphore, #tpu.memory_space<semaphore_mem>>) src(%dma_wait3A_33 : memref<640x128xf32, #tpu.memory_space<vmem_shared>>) dst(%dma_wait3A_31 : memref<640x128xf32, #tpu.memory_space<hbm>>)
      tpu.yield
    }) : () -> ()
    return
  }
}

module attributes {stable_mosaic.version = 14 : i64} {
  func.func @_tc_body(%arg0: i32, %arg1: i32, %arg2: memref<1x1000x128xf32, #tpu.memory_space<vmem>>, %arg3: memref<1x1000x1xf32, #tpu.memory_space<vmem>>, %arg4: memref<1000x128xf32, #tpu.memory_space<vmem>>, %arg5: memref<1x128x128xf32, #tpu.memory_space<vmem>>, %arg6: memref<1x128x128xf32, #tpu.memory_space<vmem>>, %arg7: memref<1x128x128xf32, #tpu.memory_space<vmem>>, %arg8: memref<1x128x128xf32, #tpu.memory_space<vmem>>, %arg9: memref<1x1x128xf32, #tpu.memory_space<vmem>>, %arg10: memref<1x1x128xf32, #tpu.memory_space<vmem>>, %arg11: memref<128x128xf32, #tpu.memory_space<vmem>>, %arg12: memref<1x128xf32, #tpu.memory_space<vmem>>, %arg13: memref<1000x128xf32, #tpu.memory_space<vmem>>) attributes {dimension_semantics = [#tpu.dimension_semantics<arbitrary>, #tpu.dimension_semantics<arbitrary>], iteration_bounds = array<i64: 2, 10>, scalar_prefetch = 0 : i64, scratch_operands = 0 : i64, tpu.core_type = #tpu.core_type<tc>, window_params = [{transform_indices = @transform_0, window_bounds = array<i64: 1, 1000, 128>}, {transform_indices = @transform_1, window_bounds = array<i64: 1, 1000, 1>}, {transform_indices = @transform_2, window_bounds = array<i64: 1000, 128>}, {transform_indices = @transform_3, window_bounds = array<i64: 1, 128, 128>}, {transform_indices = @transform_4, window_bounds = array<i64: 1, 128, 128>}, {transform_indices = @transform_5, window_bounds = array<i64: 1, 128, 128>}, {transform_indices = @transform_6, window_bounds = array<i64: 1, 128, 128>}, {transform_indices = @transform_7, window_bounds = array<i64: 1, 1, 128>}, {transform_indices = @transform_8, window_bounds = array<i64: 1, 1, 128>}, {pipeline_mode = #tpu.pipeline_mode<synchronous>, transform_indices = @transform_9, window_bounds = array<i64: 128, 128>}, {pipeline_mode = #tpu.pipeline_mode<synchronous>, transform_indices = @transform_10, window_bounds = array<i64: 1, 128>}, {transform_indices = @transform_11, window_bounds = array<i64: 1000, 128>}]} {
    %get3A = arith.constant 0 : index
    %get3A_0 = arith.constant 0 : index
    %get3A_1 = arith.constant 0 : index
    %get3A_2 = vector.load %arg3[%get3A, %get3A_0, %get3A_1] : memref<1x1000x1xf32, #tpu.memory_space<vmem>>, vector<1x1000x1xf32>
    %get3A_3 = vector.shape_cast %get3A_2 : vector<1x1000x1xf32> to vector<1000x1xf32>
    %max3A = arith.constant 1.000000e+00 : f32
    %max3A_4 = vector.broadcast %max3A : f32 to vector<1000x1xf32>
    %max3A_5 = arith.maximumf %get3A_3, %max3A_4 : vector<1000x1xf32>
    %div3A = arith.constant 1.000000e+00 : f32
    %div3A_6 = vector.broadcast %div3A : f32 to vector<1000x1xf32>
    %div3A_7 = arith.divf %div3A_6, %max3A_5 : vector<1000x1xf32>
    %get3A_8 = arith.constant 0 : index
    %get3A_9 = arith.constant 0 : index
    %get3A_10 = arith.constant 0 : index
    %get3A_11 = vector.load %arg2[%get3A_8, %get3A_9, %get3A_10] : memref<1x1000x128xf32, #tpu.memory_space<vmem>>, vector<1x1000x128xf32>
    %get3A_12 = vector.shape_cast %get3A_11 : vector<1x1000x128xf32> to vector<1000x128xf32>
    %mul3A = vector.broadcast %div3A_7 : vector<1000x1xf32> to vector<1000x128xf32>
    %mul3A_13 = arith.mulf %get3A_12, %mul3A : vector<1000x128xf32>
    %get3A_14 = arith.constant 0 : index
    %get3A_15 = arith.constant 0 : index
    %get3A_16 = arith.constant 0 : index
    %get3A_17 = vector.load %arg6[%get3A_14, %get3A_15, %get3A_16] : memref<1x128x128xf32, #tpu.memory_space<vmem>>, vector<1x128x128xf32>
    %get3A_18 = vector.shape_cast %get3A_17 : vector<1x128x128xf32> to vector<128x128xf32>
    %get3A_19 = arith.constant 0 : index
    %get3A_20 = arith.constant 0 : index
    %get3A_21 = arith.constant 0 : index
    %get3A_22 = vector.load %arg7[%get3A_19, %get3A_20, %get3A_21] : memref<1x128x128xf32, #tpu.memory_space<vmem>>, vector<1x128x128xf32>
    %get3A_23 = vector.shape_cast %get3A_22 : vector<1x128x128xf32> to vector<128x128xf32>
    %add3A = arith.addf %get3A_18, %get3A_23 : vector<128x128xf32>
    %get3A_24 = arith.constant 0 : index
    %get3A_25 = arith.constant 0 : index
    %get3A_26 = arith.constant 0 : index
    %get3A_27 = vector.load %arg8[%get3A_24, %get3A_25, %get3A_26] : memref<1x128x128xf32, #tpu.memory_space<vmem>>, vector<1x128x128xf32>
    %get3A_28 = vector.shape_cast %get3A_27 : vector<1x128x128xf32> to vector<128x128xf32>
    %add3A_29 = arith.addf %add3A, %get3A_28 : vector<128x128xf32>
    %get3A_30 = arith.constant 0 : index
    %get3A_31 = arith.constant 0 : index
    %get3A_32 = arith.constant 0 : index
    %get3A_33 = vector.load %arg5[%get3A_30, %get3A_31, %get3A_32] : memref<1x128x128xf32, #tpu.memory_space<vmem>>, vector<1x128x128xf32>
    %get3A_34 = vector.shape_cast %get3A_33 : vector<1x128x128xf32> to vector<128x128xf32>
    %dot_general3A = arith.constant dense<0.000000e+00> : vector<1000x128xf32>
    %dot_general3A_35 = tpu.matmul %mul3A_13, %get3A_34, %dot_general3A {dimension_numbers = #tpu.dot_dimension_numbers<[1], [0], [0], [1], [0, 0, 1, 1], [], []>, transpose_lhs_hint = false} : vector<1000x128xf32>, vector<128x128xf32>, vector<1000x128xf32> -> vector<1000x128xf32>
    %get3A_36 = arith.constant 0 : index
    %get3A_37 = arith.constant 0 : index
    %get3A_38 = vector.load %arg4[%get3A_36, %get3A_37] : memref<1000x128xf32, #tpu.memory_space<vmem>>, vector<1000x128xf32>
    %dot_general3A_39 = arith.constant dense<0.000000e+00> : vector<1000x128xf32>
    %dot_general3A_40 = tpu.matmul %get3A_38, %add3A_29, %dot_general3A_39 {dimension_numbers = #tpu.dot_dimension_numbers<[1], [0], [0], [1], [0, 0, 1, 1], [], []>, transpose_lhs_hint = false} : vector<1000x128xf32>, vector<128x128xf32>, vector<1000x128xf32> -> vector<1000x128xf32>
    %add3A_41 = arith.addf %dot_general3A_35, %dot_general3A_40 : vector<1000x128xf32>
    %get3A_42 = arith.constant 0 : index
    %get3A_43 = arith.constant 0 : index
    %get3A_44 = arith.constant 0 : index
    %get3A_45 = vector.load %arg9[%get3A_42, %get3A_43, %get3A_44] : memref<1x1x128xf32, #tpu.memory_space<vmem>>, vector<1x1x128xf32>
    %get3A_46 = vector.shape_cast %get3A_45 : vector<1x1x128xf32> to vector<1x128xf32>
    %add3A_47 = vector.broadcast %get3A_46 : vector<1x128xf32> to vector<1000x128xf32>
    %add3A_48 = arith.addf %add3A_41, %add3A_47 : vector<1000x128xf32>
    %get3A_49 = arith.constant 0 : index
    %get3A_50 = arith.constant 0 : index
    %get3A_51 = arith.constant 0 : index
    %get3A_52 = vector.load %arg10[%get3A_49, %get3A_50, %get3A_51] : memref<1x1x128xf32, #tpu.memory_space<vmem>>, vector<1x1x128xf32>
    %get3A_53 = vector.shape_cast %get3A_52 : vector<1x1x128xf32> to vector<1x128xf32>
    %add3A_54 = vector.broadcast %get3A_53 : vector<1x128xf32> to vector<1000x128xf32>
    %add3A_55 = arith.addf %add3A_48, %add3A_54 : vector<1000x128xf32>
    %max3A_56 = arith.constant 0.000000e+00 : f32
    %max3A_57 = vector.broadcast %max3A_56 : f32 to vector<1000x128xf32>
    %max3A_58 = arith.maximumf %add3A_55, %max3A_57 : vector<1000x128xf32>
    %swap3A = arith.constant 0 : index
    %swap3A_59 = arith.constant 0 : index
    %swap3A_60 = vector.load %arg13[%swap3A, %swap3A_59] : memref<1000x128xf32, #tpu.memory_space<vmem>>, vector<1000x128xf32>
    tpu.vector_store %arg13[%swap3A, %swap3A_59], %max3A_58 {strides = array<i32>} : memref<1000x128xf32, #tpu.memory_space<vmem>>, vector<1000x128xf32>,
    return
  }
  func.func @transform_0(%arg0: i32, %arg1: i32) -> (i32, i32, i32) {
    %c0_i32 = arith.constant 0 : i32
    %c0_i32_0 = arith.constant 0 : i32
    return %arg0, %arg1, %c0_i32 : i32, i32, i32
  }
  func.func @transform_1(%arg0: i32, %arg1: i32) -> (i32, i32, i32) {
    %c0_i32 = arith.constant 0 : i32
    %c0_i32_0 = arith.constant 0 : i32
    return %arg0, %arg1, %c0_i32 : i32, i32, i32
  }
  func.func @transform_2(%arg0: i32, %arg1: i32) -> (i32, i32) {
    %mul3A = arith.constant 10 : i32
    %mul3A_0 = arith.muli %arg0, %mul3A : i32
    %add3A = arith.addi %mul3A_0, %arg1 : i32
    %c0_i32 = arith.constant 0 : i32
    %c0_i32_1 = arith.constant 0 : i32
    return %add3A, %c0_i32 : i32, i32
  }
  func.func @transform_3(%arg0: i32, %arg1: i32) -> (i32, i32, i32) {
    %c0_i32 = arith.constant 0 : i32
    %c0_i32_0 = arith.constant 0 : i32
    %c0_i32_1 = arith.constant 0 : i32
    return %arg0, %c0_i32, %c0_i32_0 : i32, i32, i32
  }
  func.func @transform_4(%arg0: i32, %arg1: i32) -> (i32, i32, i32) {
    %c0_i32 = arith.constant 0 : i32
    %c0_i32_0 = arith.constant 0 : i32
    %c0_i32_1 = arith.constant 0 : i32
    return %arg0, %c0_i32, %c0_i32_0 : i32, i32, i32
  }
  func.func @transform_5(%arg0: i32, %arg1: i32) -> (i32, i32, i32) {
    %c0_i32 = arith.constant 0 : i32
    %c0_i32_0 = arith.constant 0 : i32
    %c0_i32_1 = arith.constant 0 : i32
    return %arg0, %c0_i32, %c0_i32_0 : i32, i32, i32
  }
  func.func @transform_6(%arg0: i32, %arg1: i32) -> (i32, i32, i32) {
    %c0_i32 = arith.constant 0 : i32
    %c0_i32_0 = arith.constant 0 : i32
    %c0_i32_1 = arith.constant 0 : i32
    return %arg0, %c0_i32, %c0_i32_0 : i32, i32, i32
  }
  func.func @transform_7(%arg0: i32, %arg1: i32) -> (i32, i32, i32) {
    %c0_i32 = arith.constant 0 : i32
    %c0_i32_0 = arith.constant 0 : i32
    %c0_i32_1 = arith.constant 0 : i32
    return %arg0, %c0_i32, %c0_i32_0 : i32, i32, i32
  }
  func.func @transform_8(%arg0: i32, %arg1: i32) -> (i32, i32, i32) {
    %c0_i32 = arith.constant 0 : i32
    %c0_i32_0 = arith.constant 0 : i32
    %c0_i32_1 = arith.constant 0 : i32
    return %arg0, %c0_i32, %c0_i32_0 : i32, i32, i32
  }
  func.func @transform_9(%arg0: i32, %arg1: i32) -> (i32, i32) {
    %c0_i32 = arith.constant 0 : i32
    %c0_i32_0 = arith.constant 0 : i32
    %c0_i32_1 = arith.constant 0 : i32
    return %c0_i32, %c0_i32_0 : i32, i32
  }
  func.func @transform_10(%arg0: i32, %arg1: i32) -> (i32, i32) {
    %c0_i32 = arith.constant 0 : i32
    %c0_i32_0 = arith.constant 0 : i32
    %c0_i32_1 = arith.constant 0 : i32
    return %c0_i32, %c0_i32_0 : i32, i32
  }
  func.func @transform_11(%arg0: i32, %arg1: i32) -> (i32, i32) {
    %mul3A = arith.constant 10 : i32
    %mul3A_0 = arith.muli %arg0, %mul3A : i32
    %add3A = arith.addi %mul3A_0, %arg1 : i32
    %c0_i32 = arith.constant 0 : i32
    %c0_i32_1 = arith.constant 0 : i32
    return %add3A, %c0_i32 : i32, i32
  }
}

module attributes {stable_mosaic.version = 14 : i64} {
  func.func @_tc_body(%arg0: i32, %arg1: i32, %arg2: memref<1x1000x128xf32, #tpu.memory_space<vmem>>, %arg3: memref<1x1000x1xf32, #tpu.memory_space<vmem>>, %arg4: memref<1000x128xf32, #tpu.memory_space<vmem>>, %arg5: memref<1x128x128xf32, #tpu.memory_space<vmem>>, %arg6: memref<1x128x128xf32, #tpu.memory_space<vmem>>, %arg7: memref<1x128x128xf32, #tpu.memory_space<vmem>>, %arg8: memref<1x128x128xf32, #tpu.memory_space<vmem>>, %arg9: memref<1x1x128xf32, #tpu.memory_space<vmem>>, %arg10: memref<1x1x128xf32, #tpu.memory_space<vmem>>, %arg11: memref<128x128xf32, #tpu.memory_space<vmem>>, %arg12: memref<1x128xf32, #tpu.memory_space<vmem>>, %arg13: memref<1000x128xf32, #tpu.memory_space<vmem>>) attributes {dimension_semantics = [#tpu.dimension_semantics<arbitrary>, #tpu.dimension_semantics<arbitrary>], iteration_bounds = array<i64: 2, 10>, scalar_prefetch = 0 : i64, scratch_operands = 0 : i64, tpu.core_type = #tpu.core_type<tc>, window_params = [{transform_indices = @transform_0, window_bounds = array<i64: 1, 1000, 128>}, {transform_indices = @transform_1, window_bounds = array<i64: 1, 1000, 1>}, {transform_indices = @transform_2, window_bounds = array<i64: 1000, 128>}, {transform_indices = @transform_3, window_bounds = array<i64: 1, 128, 128>}, {transform_indices = @transform_4, window_bounds = array<i64: 1, 128, 128>}, {transform_indices = @transform_5, window_bounds = array<i64: 1, 128, 128>}, {transform_indices = @transform_6, window_bounds = array<i64: 1, 128, 128>}, {transform_indices = @transform_7, window_bounds = array<i64: 1, 1, 128>}, {transform_indices = @transform_8, window_bounds = array<i64: 1, 1, 128>}, {pipeline_mode = #tpu.pipeline_mode<synchronous>, transform_indices = @transform_9, window_bounds = array<i64: 128, 128>}, {pipeline_mode = #tpu.pipeline_mode<synchronous>, transform_indices = @transform_10, window_bounds = array<i64: 1, 128>}, {transform_indices = @transform_11, window_bounds = array<i64: 1000, 128>}]} {
    %get3A = arith.constant 0 : index
    %get3A_0 = arith.constant 0 : index
    %get3A_1 = arith.constant 0 : index
    %get3A_2 = vector.load %arg3[%get3A, %get3A_0, %get3A_1] : memref<1x1000x1xf32, #tpu.memory_space<vmem>>, vector<1x1000x1xf32>
    %get3A_3 = vector.shape_cast %get3A_2 : vector<1x1000x1xf32> to vector<1000x1xf32>
    %max3A = arith.constant 1.000000e+00 : f32
    %max3A_4 = vector.broadcast %max3A : f32 to vector<1000x1xf32>
    %max3A_5 = arith.maximumf %get3A_3, %max3A_4 : vector<1000x1xf32>
    %div3A = arith.constant 1.000000e+00 : f32
    %div3A_6 = vector.broadcast %div3A : f32 to vector<1000x1xf32>
    %div3A_7 = arith.divf %div3A_6, %max3A_5 : vector<1000x1xf32>
    %get3A_8 = arith.constant 0 : index
    %get3A_9 = arith.constant 0 : index
    %get3A_10 = arith.constant 0 : index
    %get3A_11 = vector.load %arg2[%get3A_8, %get3A_9, %get3A_10] : memref<1x1000x128xf32, #tpu.memory_space<vmem>>, vector<1x1000x128xf32>
    %get3A_12 = vector.shape_cast %get3A_11 : vector<1x1000x128xf32> to vector<1000x128xf32>
    %mul3A = vector.broadcast %div3A_7 : vector<1000x1xf32> to vector<1000x128xf32>
    %mul3A_13 = arith.mulf %get3A_12, %mul3A : vector<1000x128xf32>
    %get3A_14 = arith.constant 0 : index
    %get3A_15 = arith.constant 0 : index
    %get3A_16 = arith.constant 0 : index
    %get3A_17 = vector.load %arg6[%get3A_14, %get3A_15, %get3A_16] : memref<1x128x128xf32, #tpu.memory_space<vmem>>, vector<1x128x128xf32>
    %get3A_18 = vector.shape_cast %get3A_17 : vector<1x128x128xf32> to vector<128x128xf32>
    %get3A_19 = arith.constant 0 : index
    %get3A_20 = arith.constant 0 : index
    %get3A_21 = arith.constant 0 : index
    %get3A_22 = vector.load %arg7[%get3A_19, %get3A_20, %get3A_21] : memref<1x128x128xf32, #tpu.memory_space<vmem>>, vector<1x128x128xf32>
    %get3A_23 = vector.shape_cast %get3A_22 : vector<1x128x128xf32> to vector<128x128xf32>
    %add3A = arith.addf %get3A_18, %get3A_23 : vector<128x128xf32>
    %get3A_24 = arith.constant 0 : index
    %get3A_25 = arith.constant 0 : index
    %get3A_26 = arith.constant 0 : index
    %get3A_27 = vector.load %arg8[%get3A_24, %get3A_25, %get3A_26] : memref<1x128x128xf32, #tpu.memory_space<vmem>>, vector<1x128x128xf32>
    %get3A_28 = vector.shape_cast %get3A_27 : vector<1x128x128xf32> to vector<128x128xf32>
    %add3A_29 = arith.addf %add3A, %get3A_28 : vector<128x128xf32>
    %get3A_30 = arith.constant 0 : index
    %get3A_31 = arith.constant 0 : index
    %get3A_32 = arith.constant 0 : index
    %get3A_33 = vector.load %arg5[%get3A_30, %get3A_31, %get3A_32] : memref<1x128x128xf32, #tpu.memory_space<vmem>>, vector<1x128x128xf32>
    %get3A_34 = vector.shape_cast %get3A_33 : vector<1x128x128xf32> to vector<128x128xf32>
    %dot_general3A = arith.constant dense<0.000000e+00> : vector<1000x128xf32>
    %dot_general3A_35 = tpu.matmul %mul3A_13, %get3A_34, %dot_general3A {dimension_numbers = #tpu.dot_dimension_numbers<[1], [0], [0], [1], [0, 0, 1, 1], [], []>, transpose_lhs_hint = false} : vector<1000x128xf32>, vector<128x128xf32>, vector<1000x128xf32> -> vector<1000x128xf32>
    %get3A_36 = arith.constant 0 : index
    %get3A_37 = arith.constant 0 : index
    %get3A_38 = vector.load %arg4[%get3A_36, %get3A_37] : memref<1000x128xf32, #tpu.memory_space<vmem>>, vector<1000x128xf32>
    %dot_general3A_39 = arith.constant dense<0.000000e+00> : vector<1000x128xf32>
    %dot_general3A_40 = tpu.matmul %get3A_38, %add3A_29, %dot_general3A_39 {dimension_numbers = #tpu.dot_dimension_numbers<[1], [0], [0], [1], [0, 0, 1, 1], [], []>, transpose_lhs_hint = false} : vector<1000x128xf32>, vector<128x128xf32>, vector<1000x128xf32> -> vector<1000x128xf32>
    %add3A_41 = arith.addf %dot_general3A_35, %dot_general3A_40 : vector<1000x128xf32>
    %get3A_42 = arith.constant 0 : index
    %get3A_43 = arith.constant 0 : index
    %get3A_44 = arith.constant 0 : index
    %get3A_45 = vector.load %arg9[%get3A_42, %get3A_43, %get3A_44] : memref<1x1x128xf32, #tpu.memory_space<vmem>>, vector<1x1x128xf32>
    %get3A_46 = vector.shape_cast %get3A_45 : vector<1x1x128xf32> to vector<1x128xf32>
    %add3A_47 = vector.broadcast %get3A_46 : vector<1x128xf32> to vector<1000x128xf32>
    %add3A_48 = arith.addf %add3A_41, %add3A_47 : vector<1000x128xf32>
    %get3A_49 = arith.constant 0 : index
    %get3A_50 = arith.constant 0 : index
    %get3A_51 = arith.constant 0 : index
    %get3A_52 = vector.load %arg10[%get3A_49, %get3A_50, %get3A_51] : memref<1x1x128xf32, #tpu.memory_space<vmem>>, vector<1x1x128xf32>
    %get3A_53 = vector.shape_cast %get3A_52 : vector<1x1x128xf32> to vector<1x128xf32>
    %add3A_54 = vector.broadcast %get3A_53 : vector<1x128xf32> to vector<1000x128xf32>
    %add3A_55 = arith.addf %add3A_48, %add3A_54 : vector<1000x128xf32>
    %max3A_56 = arith.constant 0.000000e+00 : f32
    %max3A_57 = vector.broadcast %max3A_56 : f32 to vector<1000x128xf32>
    %max3A_58 = arith.maximumf %add3A_55, %max3A_57 : vector<1000x128xf32>
    %get3A_59 = arith.constant 0 : index
    %get3A_60 = arith.constant 0 : index
    %get3A_61 = vector.load %arg11[%get3A_59, %get3A_60] : memref<128x128xf32, #tpu.memory_space<vmem>>, vector<128x128xf32>
    %dot_general3A_62 = arith.constant dense<0.000000e+00> : vector<1000x128xf32>
    %dot_general3A_63 = tpu.matmul %max3A_58, %get3A_61, %dot_general3A_62 {dimension_numbers = #tpu.dot_dimension_numbers<[1], [0], [0], [1], [0, 0, 1, 1], [], []>, transpose_lhs_hint = false} : vector<1000x128xf32>, vector<128x128xf32>, vector<1000x128xf32> -> vector<1000x128xf32>
    %get3A_64 = arith.constant 0 : index
    %get3A_65 = arith.constant 0 : index
    %get3A_66 = vector.load %arg12[%get3A_64, %get3A_65] : memref<1x128xf32, #tpu.memory_space<vmem>>, vector<1x128xf32>
    %add3A_67 = vector.broadcast %get3A_66 : vector<1x128xf32> to vector<1000x128xf32>
    %add3A_68 = arith.addf %dot_general3A_63, %add3A_67 : vector<1000x128xf32>
    %swap3A = arith.constant 0 : index
    %swap3A_69 = arith.constant 0 : index
    %swap3A_70 = vector.load %arg13[%swap3A, %swap3A_69] : memref<1000x128xf32, #tpu.memory_space<vmem>>, vector<1000x128xf32>
    tpu.vector_store %arg13[%swap3A, %swap3A_69], %add3A_68 {strides = array<i32>} : memref<1000x128xf32, #tpu.memory_space<vmem>>, vector<1000x128xf32>,
    return
  }
  func.func @transform_0(%arg0: i32, %arg1: i32) -> (i32, i32, i32) {
    %c0_i32 = arith.constant 0 : i32
    %c0_i32_0 = arith.constant 0 : i32
    return %arg0, %arg1, %c0_i32 : i32, i32, i32
  }
  func.func @transform_1(%arg0: i32, %arg1: i32) -> (i32, i32, i32) {
    %c0_i32 = arith.constant 0 : i32
    %c0_i32_0 = arith.constant 0 : i32
    return %arg0, %arg1, %c0_i32 : i32, i32, i32
  }
  func.func @transform_2(%arg0: i32, %arg1: i32) -> (i32, i32) {
    %mul3A = arith.constant 10 : i32
    %mul3A_0 = arith.muli %arg0, %mul3A : i32
    %add3A = arith.addi %mul3A_0, %arg1 : i32
    %c0_i32 = arith.constant 0 : i32
    %c0_i32_1 = arith.constant 0 : i32
    return %add3A, %c0_i32 : i32, i32
  }
  func.func @transform_3(%arg0: i32, %arg1: i32) -> (i32, i32, i32) {
    %c0_i32 = arith.constant 0 : i32
    %c0_i32_0 = arith.constant 0 : i32
    %c0_i32_1 = arith.constant 0 : i32
    return %arg0, %c0_i32, %c0_i32_0 : i32, i32, i32
  }
  func.func @transform_4(%arg0: i32, %arg1: i32) -> (i32, i32, i32) {
    %c0_i32 = arith.constant 0 : i32
    %c0_i32_0 = arith.constant 0 : i32
    %c0_i32_1 = arith.constant 0 : i32
    return %arg0, %c0_i32, %c0_i32_0 : i32, i32, i32
  }
  func.func @transform_5(%arg0: i32, %arg1: i32) -> (i32, i32, i32) {
    %c0_i32 = arith.constant 0 : i32
    %c0_i32_0 = arith.constant 0 : i32
    %c0_i32_1 = arith.constant 0 : i32
    return %arg0, %c0_i32, %c0_i32_0 : i32, i32, i32
  }
  func.func @transform_6(%arg0: i32, %arg1: i32) -> (i32, i32, i32) {
    %c0_i32 = arith.constant 0 : i32
    %c0_i32_0 = arith.constant 0 : i32
    %c0_i32_1 = arith.constant 0 : i32
    return %arg0, %c0_i32, %c0_i32_0 : i32, i32, i32
  }
  func.func @transform_7(%arg0: i32, %arg1: i32) -> (i32, i32, i32) {
    %c0_i32 = arith.constant 0 : i32
    %c0_i32_0 = arith.constant 0 : i32
    %c0_i32_1 = arith.constant 0 : i32
    return %arg0, %c0_i32, %c0_i32_0 : i32, i32, i32
  }
  func.func @transform_8(%arg0: i32, %arg1: i32) -> (i32, i32, i32) {
    %c0_i32 = arith.constant 0 : i32
    %c0_i32_0 = arith.constant 0 : i32
    %c0_i32_1 = arith.constant 0 : i32
    return %arg0, %c0_i32, %c0_i32_0 : i32, i32, i32
  }
  func.func @transform_9(%arg0: i32, %arg1: i32) -> (i32, i32) {
    %c0_i32 = arith.constant 0 : i32
    %c0_i32_0 = arith.constant 0 : i32
    %c0_i32_1 = arith.constant 0 : i32
    return %c0_i32, %c0_i32_0 : i32, i32
  }
  func.func @transform_10(%arg0: i32, %arg1: i32) -> (i32, i32) {
    %c0_i32 = arith.constant 0 : i32
    %c0_i32_0 = arith.constant 0 : i32
    %c0_i32_1 = arith.constant 0 : i32
    return %c0_i32, %c0_i32_0 : i32, i32
  }
  func.func @transform_11(%arg0: i32, %arg1: i32) -> (i32, i32) {
    %mul3A = arith.constant 10 : i32
    %mul3A_0 = arith.muli %arg0, %mul3A : i32
    %add3A = arith.addi %mul3A_0, %arg1 : i32
    %c0_i32 = arith.constant 0 : i32
    %c0_i32_1 = arith.constant 0 : i32
    return %add3A, %c0_i32 : i32, i32
  }
}

</mosaic_0001>

<sc_bundles>
// kernel: kernel.6.cloned.1.call-start
scs
__scs_entry_jumppad:
0x0: {  	(pc) =	sbr.rel $0x88, $3  }
0x1: {  	(tag) =	ssettag $0x0;
	lr =	simm.s32 $0x1  }
0x2: {  	[smem:$0x3F83] =	sst lr;
	_ =	strace $0xD0000000  }
0x3: {  	_ = 	snop  }
0x4: {  	_ = 	snop  }
0x5: {  	_ = 	snop  }
0x6: {  	_ = 	snop  }
0x7: {  	_ = 	snop  }
__scs_overlays_trampoline_lowered:
0x8: {  	[smem:$0x3F92] =	sst s0  }
0x9: {  	[smem:$0x3F93] =	sst s1  }
0xa: {  	[smem:$0x3F94] =	sst s2  }
0xb: {  	[smem:$0x3F95] =	sst s3  }
0xc: {  	[smem:$0x3F96] =	sst s4  }
0xd: {  	[smem:$0x3F97] =	sst s5  }
0xe: {  	[smem:$0x3F98] =	sst s6  }
0xf: {  	[smem:$0x3F99] =	sst s7  }
0x10: {  	[smem:$0x3F9A] =	sst s8  }
0x11: {  	[smem:$0x3F9B] =	sst s9;
	s0 =	simm.s32 @!p0 $0x0  }
0x12: {  	s1 =	sld [smem:$0x3F81];
	s0 =	simm.s32 @p0 $0x1  }
0x13: {  	[smem:$0x3F9C] =	sst s0;
	s0 =	simm.s32 @!p1 $0x0  }
0x14: {  	s2 =	sld [smem:$0x3F80];
	s0 =	simm.s32 @p1 $0x1  }
0x15: {  	[smem:$0x3F9D] =	sst s0;
	s0 =	simm.s32 @!p2 $0x0  }
0x16: {  	s3 =	sld [smem:$0x3FDB];
	s0 =	simm.s32 @p2 $0x1  }
0x17: {  	s4 =	simm.s32 $0x1BF5;
	[smem:$0x3F9F] =	sst s0  }
0x18: {  	s0 =	sld [smem:$0x3F82];
	_ =	swait.ge [sflag:s4], $0x0  }
0x19: {  	s7 =	sld [smem:$0x3F83]  }
0x1a: {  	s8 =	sadd.s32 $0xFFFFE003, lr  }
0x1b: {  	s9 =	sadd.s32 $0xFFFFFEF7, lr;
	s5 =	simm.s32 $0xFFFFFFFF;
	p2 =	slt.u32 s8, $0xFFFFF086  }
0x1c: {  	p1 =	slt.u32 s9, $0xF7A;
	s5 =	simm.s32 @!p2 $0x0  }
0x1d: {  	s5 =	simm.s32 @p1 $0x1;
	p0 =	seq.s32 s7, s2  }
0x1e: {  	s7 =	smul.u32 @!p0 $0xF7A, s2;
	p2 =	seq.s32 @!p0 s5, $0x0  }
0x1f: {  	s9 =	smul.u32 $0xF7A, s1;
	s8 =	simm.s32 @!p0 $0x1BF5;
	p2 =	por !p2, p0  }
0x20: {  	[sflag:s8] =	ssyncset.s32 @!p0 $0xFFFFF086;
	s6 =	sadd.s32 @!p0 s3, s7;
	s7 =	simm.s32 @!p0 $0x108  }
0x21: {  	s3 =	sadd.s32 s3, s9;
	s6 =	sadd.s32 @!p0 $0x88, s6;
	s7 =	simm.s32 @p2 $0x1082  }
0x22: {  	[simem:s7], [sflag:s8] =	dma.local @!p0 [hbm:s6], $0xF7A  }
0x23: {  	s9 =	sor.u32 $0xD0000000, s2;
	s6 =	simm.s32 $0x108;
	_ =	swait.ge @!p0 [sflag:s8], $0x0  }
0x24: {  	s3 =	sadd.s32 $0x88, s3;
	s6 =	simm.s32 @!p1 $0x1082;
	[sflag:s4] =	ssyncset.s32 $0xFFFFF086  }
0x25: {  	[simem:s6], [sflag:s4] =	dma.local [hbm:s3], $0xF7A  }
0x26: {  	[smem:$0x3F83] =	sst s1;
	(tag) =	ssettag s2;
	_ =	strace s9  }
0x27: {  	s1 =	sld [smem:$0x3F93]  }
0x28: {  	s2 =	sld [smem:$0x3F94]  }
0x29: {  	s4 =	sld [smem:$0x3F96]  }
0x2a: {  	p0 =	seq.s32 s5, $0x0;
	s5 =	sld [smem:$0x3F97]  }
0x2b: {  	s6 =	sld [smem:$0x3F98]  }
0x2c: {  	s7 =	sld [smem:$0x3F99]  }
0x2d: {  	s3 =	simm.s32 $0x108;
	s8 =	sld [smem:$0x3F9A]  }
0x2e: {  	s3 =	simm.s32 @!p0 $0x1082;
	s9 =	sld [smem:$0x3F9B]  }
0x2f: {  	lr =	sadd.s32 s0, s3;
	s0 =	sld [smem:$0x3F92]  }
0x30: {  	s3 =	sld [smem:$0x3F95]  }
0x31: {  	[smem:$0x3F9E] =	sst s10  }
0x32: {  	s10 =	sld [smem:$0x3F9C];
	_ =	sdelay $0x3  }
0x33: {  	p0 =	seq.s32 s10, $0x1;
	s10 =	sld [smem:$0x3F9E];
	_ =	sdelay $0x3  }
0x34: {  	[smem:$0x3F9E] =	sst s10  }
0x35: {  	s10 =	sld [smem:$0x3F9D];
	_ =	sdelay $0x3  }
0x36: {  	p1 =	seq.s32 s10, $0x1;
	s10 =	sld [smem:$0x3F9E];
	_ =	sdelay $0x3  }
0x37: {  	[smem:$0x3F9E] =	sst s10  }
0x38: {  	s10 =	sld [smem:$0x3F9F]  }
0x39: {  	_ = 	snop;
	(pc) =	sbr.ind lr, $3  }
0x3a: {  	_ = 	snop  }
0x3b: {  	_ = 	snop  }
0x3c: {  	p2 =	seq.s32 s10, $0x1;
	s10 =	sld [smem:$0x3F9E]  }
0x3d: {  	_ =	shalt  }
0x3e: {  	_ =	shalt  }
0x3f: {  	_ =	shalt  }
0x40: {  	_ =	shalt  }
0x41: {  	_ =	shalt  }
0x42: {  	_ =	shalt  }
0x43: {  	_ =	shalt  }
0x44: {  	_ =	shalt  }
0x45: {  	_ =	shalt  }
0x46: {  	_ =	shalt  }
0x47: {  	_ =	shalt  }
0x48: {  	_ =	shalt  }
0x49: {  	_ =	shalt  }
0x4a: {  	_ =	shalt  }
0x4b: {  	_ =	shalt  }
0x4c: {  	_ =	shalt  }
0x4d: {  	_ =	shalt  }
0x4e: {  	_ =	shalt  }
0x4f: {  	_ =	shalt  }
0x50: {  	_ =	shalt  }
0x51: {  	_ =	shalt  }
0x52: {  	_ =	shalt  }
0x53: {  	_ =	shalt  }
0x54: {  	_ =	shalt  }
0x55: {  	_ =	shalt  }
0x56: {  	_ =	shalt  }
0x57: {  	_ =	shalt  }
0x58: {  	_ =	shalt  }
0x59: {  	_ =	shalt  }
0x5a: {  	_ =	shalt  }
0x5b: {  	_ =	shalt  }
0x5c: {  	_ =	shalt  }
0x5d: {  	_ =	shalt  }
0x5e: {  	_ =	shalt  }
0x5f: {  	_ =	shalt  }
0x60: {  	_ =	shalt  }
0x61: {  	_ =	shalt  }
0x62: {  	_ =	shalt  }
0x63: {  	_ =	shalt  }
0x64: {  	_ =	shalt  }
0x65: {  	_ =	shalt  }
0x66: {  	_ =	shalt  }
0x67: {  	_ =	shalt  }
0x68: {  	_ =	shalt  }
0x69: {  	_ =	shalt  }
0x6a: {  	_ =	shalt  }
0x6b: {  	_ =	shalt  }
0x6c: {  	_ =	shalt  }
0x6d: {  	_ =	shalt  }
0x6e: {  	_ =	shalt  }
0x6f: {  	_ =	shalt  }
0x70: {  	_ =	shalt  }
0x71: {  	_ =	shalt  }
0x72: {  	_ =	shalt  }
0x73: {  	_ =	shalt  }
0x74: {  	_ =	shalt  }
0x75: {  	_ =	shalt  }
0x76: {  	_ =	shalt  }
0x77: {  	_ =	shalt  }
0x78: {  	_ =	shalt  }
0x79: {  	_ =	shalt  }
0x7a: {  	_ =	shalt  }
0x7b: {  	_ =	shalt  }
0x7c: {  	_ =	shalt  }
0x7d: {  	_ =	shalt  }
0x7e: {  	_ =	shalt  }
0x7f: {  	_ =	shalt  }
0x80: {  	_ =	shalt  }
0x81: {  	_ =	shalt  }
0x82: {  	_ =	shalt  }
0x83: {  	_ =	shalt  }
0x84: {  	_ =	shalt  }
0x85: {  	_ =	shalt  }
0x86: {  	_ =	shalt  }
0x87: {  	_ =	shalt  }
.Lfunc_end0:
.L_simem_size_0:
called_computation_lowered:
.L_overlay_start_0:
0x88: {  	s2 =	sld [smem:$0x3FD9]  }
0x89: {  	s3 =	sld [smem:$0x3FFE];
	_ =	sdelay $0x1  }
0x8a: {  	s1 =	srdreg.scid  }
0x8b: {  	s0 =	sand.u32 $0x1, s1  }
0x8c: {  	s14 =	sshll.u32 s0, $0xA;
	s2 =	sadd.s32 s3, s2  }
0x8d: {  	s2 =	sadd.s32 s2, s14  }
0x8e: {  	[smem:$0x3FAA] =	sst s2  }
0x8f: {  	_ = 	snop  }
0x90: {  	s2 =	sld [smem:$0x3FD0];
	_ =	sdelay $0x2  }
0x91: {  	s15 =	simm.s32 $0xA;
	s4 =	simm.s32 $0x10  }
0x92: {  	[smem:s4], [sflag:s15] =	dma.local [hbm:s2], $0x1  }
0x93: {  	_ =	swait.eq [sflag:s15], $0x1  }
0x94: {  	[sflag:s15] =	ssyncset.done $0x0  }
0x95: {  	[sflag:s15] =	ssyncadd.s32 $0xFFFFFFFF  }
0x96: {  	s16 =	sld [smem:$0x10];
	(tm) =	ssettm $0x1  }
0x97: {  	s17 =	sld [smem:$0x3FFB];
	_ =	sdelay $0x3  }
0x98: {  	_ =	strace s17  }
0x99: {  	s3 =	sld [smem:$0x3FFC];
	_ =	sdelay $0x3  }
0x9a: {  	_ =	strace s3  }
0x9b: {  	s3 =	sld [smem:$0x3FFD];
	_ =	sdelay $0x3  }
0x9c: {  	_ =	strace s3  }
0x9d: {  	_ =	strace $0x8FFFFFFF  }
0x9e: {  	s18 =	sld [smem:$0x3FDB];
	_ =	sdelay $0x1  }
0x9f: {  	s19 =	simm.s32 $_scs_section_size  }
0xa0: {  	s5 =	simm.s32 $_size__tile_overlayer_lowered;
	s6 =	simm.s32 $_tile_overlayer_lowered  }
0xa1: {  	s22 =	simm.s32 $0x1BFF;
	s21 =	sshll.u32 s6, $0x1;
	s3 =	sadd.s32 s19, s18  }
0xa2: {  	s7 =	simm.s32 $0x0;
	s20 =	sshll.u32 s5, $0x1;
	s5 =	sadd.s32 s21, s3  }
0xa3: {  	[timem:s7], [sflag:s22] =	dma.local [hbm:s5], s20  }
0xa4: {  	_ =	swait.ge [sflag:s22], s20  }
0xa5: {  	s4 =	ssub.s32 $0x0, s20;
	[sflag:s22] =	ssyncset.done $0x0  }
0xa6: {  	[sflag:s22] =	ssyncadd.s32 s4;
	_ =	sdelay $0x1  }
0xa7: {  	s23 =	simm.s32 $0x1B8B  }
0xa8: {  	_ =	swait.ge [sflag:s23], $0x1  }
0xa9: {  	[sflag:s23] =	ssyncset.done $0x0  }
0xaa: {  	s25 =	simm.s32 $0x1B8E;
	s24 =	sld [smem:$0x3FFE];
	[sflag:s23] =	ssyncadd.s32 $0xFFFFFFFF  }
0xab: {  	s26 =	simm.s32 $execute0_lowered;
	[smem:$0x3FD2] =	sst s25  }
0xac: {  	s5 =	sshll.u32 s26, $0x1;
	_ =	strace $0x80000046;
	[dreg:$0x1] =	wrdreg $0xFFFFFFFF  }
0xad: {  	s28 =	simm.s32 $_size_execute0_lowered;
	s3 =	sadd.s32 s3, s5;
	[dreg:$0x0] =	wrdreg $0x0  }
0xae: {  	s5 =	sshll.u32 s28, $0x1;
	[dreg:$0x2] =	wrdreg s3  }
0xaf: {  	[dreg:$0x3] =	wrdreg s5  }
0xb0: {  	[dreg:$0x4] =	wrdreg $0xC0  }
0xb1: {  	_ =	task [dreg:s7], $0x5FFFF  }
0xb2: {  	[dreg:$0x1] =	wrdreg $0xFFFFFFFF  }
0xb3: {  	[dreg:$0x0] =	wrdreg $0x60  }
0xb4: {  	[dreg:$0x2] =	wrdreg s24  }
0xb5: {  	[dreg:$0x3] =	wrdreg s16  }
0xb6: {  	[dreg:$0x4] =	wrdreg $0x41800  }
0xb7: {  	[dreg:$0x5] =	wrdreg $0x181800  }
0xb8: {  	[dreg:$0x6] =	wrdreg $0x9  }
0xb9: {  	_ =	task.clear_ibuf [dreg:s7], $0x7FFFF;
	_ =	strace $0x90000046  }
0xba: {  	s29 =	simm.s32 $0x9;
	_ =	strace $0x80000048  }
0xbb: {  	_ =	swait.ge [sflag:s29], $0x1  }
0xbc: {  	[sflag:s29] =	ssyncadd.s32 $0xFFFFFFFF  }
0xbd: {  	_ =	strace $0x90000048  }
0xbe: {  	_ =	sfence  }
0xbf: {  	s30 =	sld [smem:$0x0];
	_ =	sdelay $0x2  }
0xc0: {  	s31 =	sshll.u32 s1, $0xD;
	s1 =	sshrl.u32 s1, $0x2  }
0xc1: {  	s3 =	sand.u32 $0x4000, s31;
	s1 =	sadd.s32 s1, s30  }
0xc2: {  	s0 =	sor.u32 s3, s0;
	s1 =	sshll.u32 s1, $0x11  }
0xc3: {  	s0 =	sor.u32 s1, s0  }
0xc4: {  	s0 =	sadd.s32 $0x8F2B, s0  }
0xc5: {  	[sflag:s0] =	ssyncadd.remote.s32 $0x1  }
0xc6: {  	_ =	sfence.sel $0xFFFF  }
0xc7: {  	[dreg:$0x0] =	wrdreg $0xFFFFFFFF;
	(pc) =	sbr.abs _section_cstart, $3  }
0xc8: {  	[dreg:$0x1] =	wrdreg $0xFFFFFFFF  }
0xc9: {  	_ =	task.clear_ibuf [dreg:s7], $0x2FFFF;
	_ =	strace $0x9FFFFFFF  }
0xca: {  	(tm) =	ssettm $0x7FFFFFFF  }
0xcb: {  	_ =	shalt  }
tec
execute0_lowered:
.L_overlay_start_1:
0x0: {  	(tag) =	ssettag $0x1  }
0x1: {  	s0 =	rddreg [dreg:$0x0]  }
0x2: {  	s1 =	rddreg [dreg:$0x1]  }
0x3: {  	s2 =	rddreg [dreg:$0x2]  }
0x4: {  	s4 =	srdreg.scid;
	s20 =	stileid.u32  }
0x5: {  	s3 =	rddreg [dreg:$0x3];
	s6 =	smul.u32 $0x14000, s20  }
0x6: {  	s22 =	simm.s32 $0x2;
	s28 =	simm.s32 $0x4000;
	s14 =	smul.u32 $0x280, s20  }
0x7: {  	s29 =	simm.s32 $0x1;
	s30 =	simm.s32 $0x4080;
	s8 =	smul.u32 $0x50000, s20  }
0x8: {  	s16 =	sand.u32 $0x1, s4;
	s4 =	simm.s32 $0x0;
	s18 =	smul.u32 $0x500, s20  }
0x9: {  	s31 =	simm.s32 $0x4100;
	s5 =	smul.u32 $0x140000, s16;
	[smem:$0x7FF] =	sst s4  }
0xa: {  	s23 =	ssub.s32 $0x2, s16;
	s19 =	sshll.u32 s16, $0x7;
	s16 =	smul.u32 $0x9D000, s16  }
0xb: {  	_ =	strace $0x80000047;
	s9 =	sshrl.u32 s23, $0x1;
	s8 =	sshrl.u32 s8, $0x2  }
0xc: {  	s10 =	sadd.s32 $0x80, s14;
	s12 =	sadd.s32 $0x100, s14;
	s15 =	sadd.s32 $0x180, s14  }
0xd: {  	s17 =	sadd.s32 $0x200, s14;
	s19 =	sor.u32 s19, s18;
	s18 =	smul.u32 $0x9D00, s20  }
0xe: {  	s6 =	sadd.s32 s6, s5;
	s5 =	sadd.s32 $0x5200, s0;
	s21 =	ssub.s32 s23, s9  }
0xf: {  	s24 =	sshll.u32 s10, $0x7;
	s10 =	sadd.s32 s10, s3;
	s11 =	sshll.u32 s12, $0x7  }
0x10: {  	s12 =	sadd.s32 s12, s3;
	s13 =	sshll.u32 s15, $0x7;
	s25 =	sshll.u32 s17, $0x7  }
0x11: {  	s17 =	sadd.s32 s17, s3;
	s26 =	sshrl.u32 s19, $0x3;
	s23 =	simm.s32 $0x80  }
0x12: {  	s7 =	sshrl.u32 s6, $0x3;
	s6 =	sadd.s32 $0x53400, s0;
	s9 =	sadd.s32 s24, s2  }
0x13: {  	s11 =	sadd.s32 s11, s2;
	s13 =	sadd.s32 s13, s2;
	s20 =	sadd.s32 s1, s26  }
0x14: {  	s21 =	smax.u32 s21, $0x1;
	s1 =	simm.s32 $0x10;
	s24 =	simm.s32 $0x0  }
0x15: {  	s0 =	sadd.s32 s7, s0;
	s7 =	sadd.s32 s8, s2;
	s8 =	sadd.s32 s14, s3  }
0x16: {  	v0 =	vimm.f32 $1.000000000e+00;
	v1 =	vimm.f32 $0.0e+00;
	s14 =	sadd.s32 s15, s3;
	s15 =	sadd.s32 s25, s2;
	s19 =	sadd.s32 $0x7A800, s0  }
.LBB2_1:
0x17: {  	[tilespmem:$0x4100] =	vst v0  }
0x18: {  	[tilespmem:$0x4110] =	vst v0  }
0x19: {  	[tilespmem:$0x4120] =	vst v0  }
0x1a: {  	[tilespmem:$0x4130] =	vst v0  }
0x1b: {  	[tilespmem:$0x4140] =	vst v0  }
0x1c: {  	[tilespmem:$0x4150] =	vst v0  }
0x1d: {  	[tilespmem:$0x4160] =	vst v0  }
0x1e: {  	[tilespmem:$0x4170] =	vst v0;
	s25 =	simm.s32 $0x0;
	s26 =	simm.s32 $0x200  }
.LBB2_2:
0x1f: {  	p0 =	sne.s32 s26, $0xFE00;
	[tilespmem:s25+$0x70] =	vst v1  }
0x20: {  	[tilespmem:s25+$0x0] =	vst v1  }
0x21: {  	[tilespmem:s25+$0x10] =	vst v1  }
.Ltmp0:
0x22: {  	[tilespmem:s25+$0x20] =	vst v1;
	(pc) =	sbr.rel @p0 .LBB2_2-.Ltmp0, $4  }
0x23: {  	[tilespmem:s25+$0x30] =	vst v1  }
0x24: {  	[tilespmem:s25+$0x40] =	vst v1  }
0x25: {  	[tilespmem:s25+$0x50] =	vst v1  }
0x26: {  	[tilespmem:s25+$0x60] =	vst v1;
	s25 =	sshra.s32 s26, $0x2;
	s26 =	sadd.s32 $0x200, s26  }
0x27: {  	[tilespmem:s25+$0x70] =	vst v1  }
0x28: {  	[tilespmem:s25+$0x0] =	vst v1  }
0x29: {  	[tilespmem:s25+$0x10] =	vst v1  }
0x2a: {  	[tilespmem:s25+$0x20] =	vst v1  }
0x2b: {  	[tilespmem:s25+$0x30] =	vst v1  }
0x2c: {  	[tilespmem:s25+$0x40] =	vst v1  }
0x2d: {  	[tilespmem:s25+$0x50] =	vst v1  }
0x2e: {  	[tilespmem:s25+$0x60] =	vst v1;
	s25 =	simm.s32 $0x0  }
0x2f: {  	[spmem:s7] =	stream.linear.scatter [tilespmem:s25], [sflag:$0x2], $0x4000, $0x38;
	[tilespmem:$0x18400] =	vst v63  }
0x30: {  	_ =	swait.ge [sflag:s22], $0x4000  }
0x31: {  	[sflag:s22] =	ssyncset.done $0x0  }
0x32: {  	[sflag:s22] =	ssyncadd.s32 $0xFFFFC000  }
0x33: {  	[spmem:s8] =	stream.linear.scatter [tilespmem:s25], [sflag:$0x2], $0x80, $0x38;
	[tilespmem:$0x18400] =	vst v63  }
0x34: {  	_ =	swait.ge [sflag:s22], $0x80  }
0x35: {  	[sflag:s22] =	ssyncset.done $0x0  }
0x36: {  	[sflag:s22] =	ssyncadd.s32 $0xFFFFFF80  }
0x37: {  	[spmem:s9] =	stream.linear.scatter [tilespmem:s25], [sflag:$0x2], $0x4000, $0x38;
	[tilespmem:$0x18400] =	vst v63  }
0x38: {  	_ =	swait.ge [sflag:s22], $0x4000  }
0x39: {  	[sflag:s22] =	ssyncset.done $0x0  }
0x3a: {  	[sflag:s22] =	ssyncadd.s32 $0xFFFFC000  }
0x3b: {  	[spmem:s10] =	stream.linear.scatter [tilespmem:s23], [sflag:$0x2], $0x80, $0x38;
	[tilespmem:$0x18400] =	vst v63  }
0x3c: {  	_ =	swait.ge [sflag:s22], $0x80  }
0x3d: {  	[sflag:s22] =	ssyncset.done $0x0  }
0x3e: {  	[sflag:s22] =	ssyncadd.s32 $0xFFFFFF80  }
0x3f: {  	[spmem:s11] =	stream.linear.scatter [tilespmem:s25], [sflag:$0x2], $0x4000, $0x38;
	[tilespmem:$0x18400] =	vst v63  }
0x40: {  	_ =	swait.ge [sflag:s22], $0x4000  }
0x41: {  	[sflag:s22] =	ssyncset.done $0x0  }
0x42: {  	s0 =	simm.s32 $0x100;
	[sflag:s22] =	ssyncadd.s32 $0xFFFFC000  }
0x43: {  	[spmem:s12] =	stream.linear.scatter [tilespmem:s0], [sflag:$0x2], $0x80, $0x38;
	[tilespmem:$0x18400] =	vst v63  }
0x44: {  	_ =	swait.ge [sflag:s22], $0x80  }
0x45: {  	[sflag:s22] =	ssyncset.done $0x0  }
0x46: {  	[sflag:s22] =	ssyncadd.s32 $0xFFFFFF80  }
0x47: {  	[spmem:s13] =	stream.linear.scatter [tilespmem:s25], [sflag:$0x2], $0x4000, $0x38;
	[tilespmem:$0x18400] =	vst v63  }
0x48: {  	_ =	swait.ge [sflag:s22], $0x4000  }
0x49: {  	[sflag:s22] =	ssyncset.done $0x0  }
0x4a: {  	s26 =	simm.s32 $0x180;
	[sflag:s22] =	ssyncadd.s32 $0xFFFFC000  }
0x4b: {  	[spmem:s14] =	stream.linear.scatter [tilespmem:s26], [sflag:$0x2], $0x80, $0x38;
	[tilespmem:$0x18400] =	vst v63  }
0x4c: {  	_ =	swait.ge [sflag:s22], $0x80  }
0x4d: {  	[sflag:s22] =	ssyncset.done $0x0  }
0x4e: {  	[sflag:s22] =	ssyncadd.s32 $0xFFFFFF80  }
0x4f: {  	[spmem:s15] =	stream.linear.scatter [tilespmem:s25], [sflag:$0x2], $0x4000, $0x38;
	[tilespmem:$0x18400] =	vst v63  }
0x50: {  	_ =	swait.ge [sflag:s22], $0x4000  }
0x51: {  	[sflag:s22] =	ssyncset.done $0x0  }
0x52: {  	s0 =	sadd.s32 $0x0, s18;
	s26 =	simm.s32 $0x200;
	[sflag:s22] =	ssyncadd.s32 $0xFFFFC000  }
0x53: {  	[spmem:s17] =	stream.linear.scatter [tilespmem:s26], [sflag:$0x2], $0x80, $0x38;
	[tilespmem:$0x18400] =	vst v63  }
0x54: {  	s26 =	sand.u32 $0x1FFC00, s0  }
0x55: {  	s25 =	sand.u32 $0x300, s0;
	_ =	swait.ge [sflag:s22], $0x80;
	s26 =	sadd.s32 s16, s26  }
0x56: {  	[sflag:s22] =	ssyncset.done $0x0;
	s25 =	sor.u32 s25, s26  }
0x57: {  	[sflag:s22] =	ssyncadd.s32 $0xFFFFFF80;
	s25 =	sshrl.u32 s25, $0x3  }
0x58: {  	[bflag:$0x0] =	sbarrier.arrive $0xFFFF;
	s25 =	sadd.s32 s6, s25  }
0x59: {  	[tilespmem:s28], [sflag:$0x2] =	stream.linear.gather [hbm4b:s25+s4], $0x100, $0x38;
	[tilespmem:$0x18400] =	vst v63  }
0x5a: {  	_ =	swait.ge [sflag:s22], $0x100  }
0x5b: {  	[sflag:s22] =	ssyncset.done $0x0  }
0x5c: {  	[sflag:s22] =	ssyncadd.s32 $0xFFFFFF00  }
0x5d: {  	[tilespmem:s4], [sflag:$0x1] =	stream.indirect.gather [hbm4b:s5+s23], $0x80, s28, s23, $0xb8;
	[tilespmem:$0x18400] =	vst v63  }
0x5e: {  	_ =	swait.ge [sflag:s29], $0x4000  }
0x5f: {  	[sflag:s29] =	ssyncset.done $0x0  }
0x60: {  	s25 =	sadd.s32 $0x100, s18;
	[sflag:s29] =	ssyncadd.s32 $0xFFFFC000  }
0x61: {  	[spmem:s2] =	stream.indirect.scatter.add.f32 [tilespmem:s4], [sflag:$0x2], $0x80, s30, s23, $0xb8;
	[tilespmem:$0x18400] =	vst v63  }
0x62: {  	s0 =	sand.u32 $0x1FFC00, s25;
	_ =	swait.ge [sflag:s22], $0x4000  }
0x63: {  	s25 =	sand.u32 $0x300, s25;
	s26 =	sadd.s32 s16, s0;
	[sflag:s22] =	ssyncset.done $0x0  }
0x64: {  	s26 =	sor.u32 s25, s26;
	s25 =	simm.s32 $0x200;
	[sflag:s22] =	ssyncadd.s32 $0xFFFFC000  }
.LBB2_4:
0x65: {  	p0 =	sne.s32 s25, $0x9C00  }
0x66: {  	s26 =	sshrl.u32 s26, $0x3;
	s0 =	smov.u32 s25;
	s25 =	sadd.s32 $0x100, s25  }
0x67: {  	[spmem:s3] =	stream.indirect.scatter.add.f32 [tilespmem:s31], [sflag:$0x2], $0x1, s30, s23, $0xb8;
	[tilespmem:$0x18400] =	vst v63  }
0x68: {  	_ =	swait.ge [sflag:s22], $0x80  }
0x69: {  	[sflag:s22] =	ssyncset.done $0x0  }
0x6a: {  	s26 =	sadd.s32 s6, s26;
	[sflag:s22] =	ssyncadd.s32 $0xFFFFFF80  }
0x6b: {  	[tilespmem:s28], [sflag:$0x2] =	stream.linear.gather [hbm4b:s26+s4], $0x100, $0x38;
	[tilespmem:$0x18400] =	vst v63  }
0x6c: {  	_ =	swait.ge [sflag:s22], $0x100  }
0x6d: {  	[sflag:s22] =	ssyncset.done $0x0  }
0x6e: {  	[sflag:s22] =	ssyncadd.s32 $0xFFFFFF00  }
0x6f: {  	[tilespmem:s4], [sflag:$0x1] =	stream.indirect.gather [hbm4b:s5+s23], $0x80, s28, s23, $0xb8;
	[tilespmem:$0x18400] =	vst v63  }
0x70: {  	_ =	swait.ge [sflag:s29], $0x4000  }
0x71: {  	[sflag:s29] =	ssyncset.done $0x0  }
.Ltmp1:
0x72: {  	s0 =	sadd.s32 s0, s18;
	[sflag:s29] =	ssyncadd.s32 $0xFFFFC000;
	(pc) =	sbr.rel @p0 .LBB2_4-.Ltmp1, $4  }
0x73: {  	[spmem:s2] =	stream.indirect.scatter.add.f32 [tilespmem:s4], [sflag:$0x2], $0x80, s30, s23, $0xb8;
	[tilespmem:$0x18400] =	vst v63  }
0x74: {  	s26 =	sand.u32 $0x1FFC00, s0;
	_ =	swait.ge [sflag:s22], $0x4000  }
0x75: {  	s0 =	sand.u32 $0x300, s0;
	s26 =	sadd.s32 s16, s26;
	[sflag:s22] =	ssyncset.done $0x0  }
0x76: {  	s26 =	sor.u32 s0, s26;
	[sflag:s22] =	ssyncadd.s32 $0xFFFFC000  }
0x77: {  	[spmem:s3] =	stream.indirect.scatter.add.f32 [tilespmem:s31], [sflag:$0x2], $0x1, s30, s23, $0xb8;
	[tilespmem:$0x18400] =	vst v63  }
0x78: {  	_ =	swait.ge [sflag:s22], $0x80  }
0x79: {  	s0 =	sshrl.u32 s26, $0x3;
	[sflag:s22] =	ssyncset.done $0x0  }
0x7a: {  	s0 =	sadd.s32 s6, s0;
	[sflag:s22] =	ssyncadd.s32 $0xFFFFFF80  }
0x7b: {  	[tilespmem:s28], [sflag:$0x2] =	stream.linear.gather [hbm4b:s0+s4], $0x100, $0x38;
	[tilespmem:$0x18400] =	vst v63  }
0x7c: {  	_ =	swait.ge [sflag:s22], $0x100  }
0x7d: {  	[sflag:s22] =	ssyncset.done $0x0  }
0x7e: {  	[sflag:s22] =	ssyncadd.s32 $0xFFFFFF00  }
0x7f: {  	[tilespmem:s4], [sflag:$0x1] =	stream.indirect.gather [hbm4b:s5+s23], $0x80, s28, s23, $0xb8;
	[tilespmem:$0x18400] =	vst v63  }
0x80: {  	_ =	swait.ge [sflag:s29], $0x4000  }
0x81: {  	[sflag:s29] =	ssyncset.done $0x0  }
0x82: {  	[sflag:s29] =	ssyncadd.s32 $0xFFFFC000  }
0x83: {  	[spmem:s2] =	stream.indirect.scatter.add.f32 [tilespmem:s4], [sflag:$0x2], $0x80, s30, s23, $0xb8;
	[tilespmem:$0x18400] =	vst v63  }
0x84: {  	_ =	swait.ge [sflag:s22], $0x4000  }
0x85: {  	[sflag:s22] =	ssyncset.done $0x0  }
0x86: {  	[sflag:s22] =	ssyncadd.s32 $0xFFFFC000  }
0x87: {  	[spmem:s3] =	stream.indirect.scatter.add.f32 [tilespmem:s31], [sflag:$0x2], $0x1, s30, s23, $0xb8;
	[tilespmem:$0x18400] =	vst v63  }
0x88: {  	_ =	swait.ge [sflag:s22], $0x80  }
0x89: {  	s26 =	stileid.u32;
	[sflag:s22] =	ssyncset.done $0x0  }
0x8a: {  	s0 =	sshll.u32 s26, $0x6;
	[sflag:s22] =	ssyncadd.s32 $0xFFFFFF80  }
0x8b: {  	s25 =	sshrl.u32 s7, $0x3;
	s0 =	sor.u32 $0x1C02, s0;
	[bflag:$0x0] =	sbarrier.arrive $0xFFFF  }
0x8c: {  	[hbm:s19], [sflag:s0] =	dma.local [spmem:s25], $0x2800  }
0x8d: {  	s24 =	sadd.s32 $0x1, s24;
	_ =	swait.ge [sflag:s22], $0x2800  }
0x8e: {  	p0 =	sne.s32 s24, s21;
	s26 =	simm.s32 $0x20;
	[sflag:s22] =	ssyncset.done $0x0  }
.Ltmp2:
0x8f: {  	s25 =	sshrl.u32 s8, $0x3;
	[sflag:s22] =	ssyncadd.s32 $0xFFFFD800;
	(pc) =	sbr.rel @p0 .LBB2_1-.Ltmp2, $4  }
0x90: {  	[hbm:s20@s26], [sflag:s0] =	dma.strided [spmem:s25@s1], $0x50, s29, $0x10   }
0x91: {  	_ =	swait.ge [sflag:s22], $0x50  }
0x92: {  	[sflag:s22] =	ssyncset.done $0x0  }
0x93: {  	[sflag:s22] =	ssyncadd.s32 $0xFFFFFFB0  }
0x94: {  	_ =	sfence.sel $0x180000  }
0x95: {  	[bflag:$0x0] =	sbarrier.arrive $0xFFFF  }
0x96: {  	_ =	strace $0x90000047  }
0x97: {  	s0 =	stileid.u32;
	[bflag:$0x2] =	sbarrier.arrive $0xFFFF  }
0x98: {  	p0 =	sne.s32 s0, $0x0;
	s0 =	rddreg [dreg:$0x4]  }
0x99: {  	s0 =	sadd.s32 @!p0 $0x100000, s0  }
0x9a: {  	[sflag:s0] =	ssyncadd.tile.s32 @!p0 $0x1;
	_ =	shalt  }
.Lfunc_end2:
_tile_overlayer_lowered:
.L_overlay_start_2:
0x9b: {  	(tag) =	ssettag $0x2  }
0x9c: {  	s0 =	rddreg [dreg:$0x0];
	s2 =	stileid.u32  }
0x9d: {  	s1 =	rddreg [dreg:$0x1];
	p0 =	sne.s32 s2, $0x0  }
0x9e: {  	s3 =	rddreg [dreg:$0x2];
	[bflag:$0x3] =	sbarrier.arrive $0xFFFF;
	s2 =	simm.s32 @!p0 $0x1C02  }
0x9f: {  	[timem:s3], [sflag:s2] =	dma.local @!p0 [hbm:s0], s1  }
0xa0: {  	s0 =	simm.s32 @!p0 $0x2  }
0xa1: {  	_ =	swait.ge @!p0 [sflag:s0], s1  }
0xa2: {  	s1 =	ssub.s32 @!p0 $0x0, s1;
	[sflag:s0] =	ssyncset.done @!p0 $0x0  }
0xa3: {  	[sflag:s0] =	ssyncadd.s32 @!p0 s1  }
0xa4: {  	[bflag:$0x3] =	sbarrier.arrive $0xFFFF  }
0xa5: {  	_ =	shalt  }

// kernel: kernel.9.cloned.1.call-start
scs
__scs_entry_jumppad:
0x0: {  	(pc) =	sbr.rel $0x88, $3  }
0x1: {  	(tag) =	ssettag $0x0;
	lr =	simm.s32 $0x1  }
0x2: {  	[smem:$0x3F83] =	sst lr;
	_ =	strace $0xD0000000  }
0x3: {  	_ = 	snop  }
0x4: {  	_ = 	snop  }
0x5: {  	_ = 	snop  }
0x6: {  	_ = 	snop  }
0x7: {  	_ = 	snop  }
__scs_overlays_trampoline_lowered:
0x8: {  	[smem:$0x3F92] =	sst s0  }
0x9: {  	[smem:$0x3F93] =	sst s1  }
0xa: {  	[smem:$0x3F94] =	sst s2  }
0xb: {  	[smem:$0x3F95] =	sst s3  }
0xc: {  	[smem:$0x3F96] =	sst s4  }
0xd: {  	[smem:$0x3F97] =	sst s5  }
0xe: {  	[smem:$0x3F98] =	sst s6  }
0xf: {  	[smem:$0x3F99] =	sst s7  }
0x10: {  	[smem:$0x3F9A] =	sst s8  }
0x11: {  	[smem:$0x3F9B] =	sst s9;
	s0 =	simm.s32 @!p0 $0x0  }
0x12: {  	s1 =	sld [smem:$0x3F81];
	s0 =	simm.s32 @p0 $0x1  }
0x13: {  	[smem:$0x3F9C] =	sst s0;
	s0 =	simm.s32 @!p1 $0x0  }
0x14: {  	s2 =	sld [smem:$0x3F80];
	s0 =	simm.s32 @p1 $0x1  }
0x15: {  	[smem:$0x3F9D] =	sst s0;
	s0 =	simm.s32 @!p2 $0x0  }
0x16: {  	s3 =	sld [smem:$0x3FDB];
	s0 =	simm.s32 @p2 $0x1  }
0x17: {  	s4 =	simm.s32 $0x1BF5;
	[smem:$0x3F9F] =	sst s0  }
0x18: {  	s0 =	sld [smem:$0x3F82];
	_ =	swait.ge [sflag:s4], $0x0  }
0x19: {  	s7 =	sld [smem:$0x3F83]  }
0x1a: {  	s8 =	sadd.s32 $0xFFFFE003, lr  }
0x1b: {  	s9 =	sadd.s32 $0xFFFFFEF7, lr;
	s5 =	simm.s32 $0xFFFFFFFF;
	p2 =	slt.u32 s8, $0xFFFFF086  }
0x1c: {  	p1 =	slt.u32 s9, $0xF7A;
	s5 =	simm.s32 @!p2 $0x0  }
0x1d: {  	s5 =	simm.s32 @p1 $0x1;
	p0 =	seq.s32 s7, s2  }
0x1e: {  	s7 =	smul.u32 @!p0 $0xF7A, s2;
	p2 =	seq.s32 @!p0 s5, $0x0  }
0x1f: {  	s9 =	smul.u32 $0xF7A, s1;
	s8 =	simm.s32 @!p0 $0x1BF5;
	p2 =	por !p2, p0  }
0x20: {  	[sflag:s8] =	ssyncset.s32 @!p0 $0xFFFFF086;
	s6 =	sadd.s32 @!p0 s3, s7;
	s7 =	simm.s32 @!p0 $0x108  }
0x21: {  	s3 =	sadd.s32 s3, s9;
	s6 =	sadd.s32 @!p0 $0x88, s6;
	s7 =	simm.s32 @p2 $0x1082  }
0x22: {  	[simem:s7], [sflag:s8] =	dma.local @!p0 [hbm:s6], $0xF7A  }
0x23: {  	s9 =	sor.u32 $0xD0000000, s2;
	s6 =	simm.s32 $0x108;
	_ =	swait.ge @!p0 [sflag:s8], $0x0  }
0x24: {  	s3 =	sadd.s32 $0x88, s3;
	s6 =	simm.s32 @!p1 $0x1082;
	[sflag:s4] =	ssyncset.s32 $0xFFFFF086  }
0x25: {  	[simem:s6], [sflag:s4] =	dma.local [hbm:s3], $0xF7A  }
0x26: {  	[smem:$0x3F83] =	sst s1;
	(tag) =	ssettag s2;
	_ =	strace s9  }
0x27: {  	s1 =	sld [smem:$0x3F93]  }
0x28: {  	s2 =	sld [smem:$0x3F94]  }
0x29: {  	s4 =	sld [smem:$0x3F96]  }
0x2a: {  	p0 =	seq.s32 s5, $0x0;
	s5 =	sld [smem:$0x3F97]  }
0x2b: {  	s6 =	sld [smem:$0x3F98]  }
0x2c: {  	s7 =	sld [smem:$0x3F99]  }
0x2d: {  	s3 =	simm.s32 $0x108;
	s8 =	sld [smem:$0x3F9A]  }
0x2e: {  	s3 =	simm.s32 @!p0 $0x1082;
	s9 =	sld [smem:$0x3F9B]  }
0x2f: {  	lr =	sadd.s32 s0, s3;
	s0 =	sld [smem:$0x3F92]  }
0x30: {  	s3 =	sld [smem:$0x3F95]  }
0x31: {  	[smem:$0x3F9E] =	sst s10  }
0x32: {  	s10 =	sld [smem:$0x3F9C];
	_ =	sdelay $0x3  }
0x33: {  	p0 =	seq.s32 s10, $0x1;
	s10 =	sld [smem:$0x3F9E];
	_ =	sdelay $0x3  }
0x34: {  	[smem:$0x3F9E] =	sst s10  }
0x35: {  	s10 =	sld [smem:$0x3F9D];
	_ =	sdelay $0x3  }
0x36: {  	p1 =	seq.s32 s10, $0x1;
	s10 =	sld [smem:$0x3F9E];
	_ =	sdelay $0x3  }
0x37: {  	[smem:$0x3F9E] =	sst s10  }
0x38: {  	s10 =	sld [smem:$0x3F9F]  }
0x39: {  	_ = 	snop;
	(pc) =	sbr.ind lr, $3  }
0x3a: {  	_ = 	snop  }
0x3b: {  	_ = 	snop  }
0x3c: {  	p2 =	seq.s32 s10, $0x1;
	s10 =	sld [smem:$0x3F9E]  }
0x3d: {  	_ =	shalt  }
0x3e: {  	_ =	shalt  }
0x3f: {  	_ =	shalt  }
0x40: {  	_ =	shalt  }
0x41: {  	_ =	shalt  }
0x42: {  	_ =	shalt  }
0x43: {  	_ =	shalt  }
0x44: {  	_ =	shalt  }
0x45: {  	_ =	shalt  }
0x46: {  	_ =	shalt  }
0x47: {  	_ =	shalt  }
0x48: {  	_ =	shalt  }
0x49: {  	_ =	shalt  }
0x4a: {  	_ =	shalt  }
0x4b: {  	_ =	shalt  }
0x4c: {  	_ =	shalt  }
0x4d: {  	_ =	shalt  }
0x4e: {  	_ =	shalt  }
0x4f: {  	_ =	shalt  }
0x50: {  	_ =	shalt  }
0x51: {  	_ =	shalt  }
0x52: {  	_ =	shalt  }
0x53: {  	_ =	shalt  }
0x54: {  	_ =	shalt  }
0x55: {  	_ =	shalt  }
0x56: {  	_ =	shalt  }
0x57: {  	_ =	shalt  }
0x58: {  	_ =	shalt  }
0x59: {  	_ =	shalt  }
0x5a: {  	_ =	shalt  }
0x5b: {  	_ =	shalt  }
0x5c: {  	_ =	shalt  }
0x5d: {  	_ =	shalt  }
0x5e: {  	_ =	shalt  }
0x5f: {  	_ =	shalt  }
0x60: {  	_ =	shalt  }
0x61: {  	_ =	shalt  }
0x62: {  	_ =	shalt  }
0x63: {  	_ =	shalt  }
0x64: {  	_ =	shalt  }
0x65: {  	_ =	shalt  }
0x66: {  	_ =	shalt  }
0x67: {  	_ =	shalt  }
0x68: {  	_ =	shalt  }
0x69: {  	_ =	shalt  }
0x6a: {  	_ =	shalt  }
0x6b: {  	_ =	shalt  }
0x6c: {  	_ =	shalt  }
0x6d: {  	_ =	shalt  }
0x6e: {  	_ =	shalt  }
0x6f: {  	_ =	shalt  }
0x70: {  	_ =	shalt  }
0x71: {  	_ =	shalt  }
0x72: {  	_ =	shalt  }
0x73: {  	_ =	shalt  }
0x74: {  	_ =	shalt  }
0x75: {  	_ =	shalt  }
0x76: {  	_ =	shalt  }
0x77: {  	_ =	shalt  }
0x78: {  	_ =	shalt  }
0x79: {  	_ =	shalt  }
0x7a: {  	_ =	shalt  }
0x7b: {  	_ =	shalt  }
0x7c: {  	_ =	shalt  }
0x7d: {  	_ =	shalt  }
0x7e: {  	_ =	shalt  }
0x7f: {  	_ =	shalt  }
0x80: {  	_ =	shalt  }
0x81: {  	_ =	shalt  }
0x82: {  	_ =	shalt  }
0x83: {  	_ =	shalt  }
0x84: {  	_ =	shalt  }
0x85: {  	_ =	shalt  }
0x86: {  	_ =	shalt  }
0x87: {  	_ =	shalt  }
.Lfunc_end0:
.L_simem_size_0:
called_computation.1_lowered:
.L_overlay_start_0:
0x88: {  	s2 =	sld [smem:$0x3FD9]  }
0x89: {  	s3 =	sld [smem:$0x3FFE];
	_ =	sdelay $0x1  }
0x8a: {  	s1 =	srdreg.scid  }
0x8b: {  	s0 =	sand.u32 $0x1, s1  }
0x8c: {  	s16 =	sshll.u32 s0, $0xA;
	s2 =	sadd.s32 s3, s2  }
0x8d: {  	s2 =	sadd.s32 s2, s16  }
0x8e: {  	[smem:$0x3FAA] =	sst s2  }
0x8f: {  	_ = 	snop  }
0x90: {  	(tm) =	ssettm $0x1  }
0x91: {  	s17 =	sld [smem:$0x3FFB];
	_ =	sdelay $0x3  }
0x92: {  	_ =	strace s17  }
0x93: {  	s2 =	sld [smem:$0x3FFC];
	_ =	sdelay $0x3  }
0x94: {  	_ =	strace s2  }
0x95: {  	s2 =	sld [smem:$0x3FFD];
	_ =	sdelay $0x3  }
0x96: {  	_ =	strace s2  }
0x97: {  	_ =	strace $0x8FFFFFFF  }
0x98: {  	s18 =	sld [smem:$0x3FDB];
	_ =	sdelay $0x1  }
0x99: {  	s19 =	simm.s32 $_scs_section_size  }
0x9a: {  	s4 =	simm.s32 $_size__tile_overlayer_lowered;
	s5 =	simm.s32 $_tile_overlayer_lowered  }
0x9b: {  	s22 =	simm.s32 $0x1BFF;
	s21 =	sshll.u32 s5, $0x1;
	s2 =	sadd.s32 s19, s18  }
0x9c: {  	s6 =	simm.s32 $0x0;
	s20 =	sshll.u32 s4, $0x1;
	s4 =	sadd.s32 s21, s2  }
0x9d: {  	[timem:s6], [sflag:s22] =	dma.local [hbm:s4], s20  }
0x9e: {  	_ =	swait.ge [sflag:s22], s20  }
0x9f: {  	s3 =	ssub.s32 $0x0, s20;
	[sflag:s22] =	ssyncset.done $0x0  }
0xa0: {  	[sflag:s22] =	ssyncadd.s32 s3;
	_ =	sdelay $0x1  }
0xa1: {  	s23 =	simm.s32 $0x1B8B  }
0xa2: {  	_ =	swait.ge [sflag:s23], $0x1  }
0xa3: {  	[sflag:s23] =	ssyncset.done $0x0  }
0xa4: {  	s25 =	simm.s32 $0x1B8E;
	s24 =	sld [smem:$0x3FFE];
	[sflag:s23] =	ssyncadd.s32 $0xFFFFFFFF  }
0xa5: {  	s26 =	simm.s32 $execute0_lowered;
	[smem:$0x3FD2] =	sst s25  }
0xa6: {  	s4 =	sshll.u32 s26, $0x1;
	_ =	strace $0x80000049;
	[dreg:$0x1] =	wrdreg $0xFFFFFFFF  }
0xa7: {  	s28 =	simm.s32 $_size_execute0_lowered;
	s2 =	sadd.s32 s2, s4;
	[dreg:$0x0] =	wrdreg $0x0  }
0xa8: {  	s4 =	sshll.u32 s28, $0x1;
	[dreg:$0x2] =	wrdreg s2  }
0xa9: {  	[dreg:$0x3] =	wrdreg s4  }
0xaa: {  	[dreg:$0x4] =	wrdreg $0xC0  }
0xab: {  	_ =	task [dreg:s6], $0x5FFFF  }
0xac: {  	[dreg:$0x1] =	wrdreg $0xFFFFFFFF  }
0xad: {  	[dreg:$0x0] =	wrdreg $0x60  }
0xae: {  	[dreg:$0x2] =	wrdreg s24  }
0xaf: {  	[dreg:$0x3] =	wrdreg $0x41000  }
0xb0: {  	[dreg:$0x4] =	wrdreg $0x9  }
0xb1: {  	_ =	task.clear_ibuf [dreg:s6], $0x5FFFF;
	_ =	strace $0x90000049  }
0xb2: {  	s29 =	simm.s32 $0x9;
	_ =	strace $0x8000004B  }
0xb3: {  	_ =	swait.ge [sflag:s29], $0x1  }
0xb4: {  	[sflag:s29] =	ssyncadd.s32 $0xFFFFFFFF  }
0xb5: {  	_ =	strace $0x9000004B  }
0xb6: {  	_ =	sfence  }
0xb7: {  	s30 =	sld [smem:$0x0];
	_ =	sdelay $0x2  }
0xb8: {  	s31 =	sshll.u32 s1, $0xD;
	s1 =	sshrl.u32 s1, $0x2  }
0xb9: {  	s3 =	sand.u32 $0x4000, s31;
	s1 =	sadd.s32 s1, s30  }
0xba: {  	s0 =	sor.u32 s3, s0;
	s1 =	sshll.u32 s1, $0x11  }
0xbb: {  	s0 =	sor.u32 s1, s0  }
0xbc: {  	s0 =	sadd.s32 $0x8F2B, s0  }
0xbd: {  	[sflag:s0] =	ssyncadd.remote.s32 $0x1  }
0xbe: {  	_ =	sfence.sel $0xFFFF  }
0xbf: {  	[dreg:$0x0] =	wrdreg $0xFFFFFFFF;
	(pc) =	sbr.abs _section_cstart, $3  }
0xc0: {  	[dreg:$0x1] =	wrdreg $0xFFFFFFFF  }
0xc1: {  	_ =	task.clear_ibuf [dreg:s6], $0x2FFFF;
	_ =	strace $0x9FFFFFFF  }
0xc2: {  	(tm) =	ssettm $0x7FFFFFFF  }
0xc3: {  	_ =	shalt  }
tec
execute0_lowered:
.L_overlay_start_1:
0x0: {  	(tag) =	ssettag $0x1  }
0x1: {  	s6 =	rddreg [dreg:$0x0]  }
0x2: {  	s1 =	rddreg [dreg:$0x1];
	s2 =	srdreg.scid  }
0x3: {  	s0 =	rddreg [dreg:$0x2];
	s3 =	simm.s32 $0x0;
	s15 =	simm.s32 $0x2  }
0x4: {  	s16 =	simm.s32 $0x4000;
	s17 =	simm.s32 $0x80;
	s11 =	sand.u32 $0x1, s2  }
0x5: {  	s18 =	simm.s32 $0x1;
	s2 =	stileid.u32;
	s7 =	smul.u32 $0x140000, s11  }
0x6: {  	s19 =	simm.s32 $0x4080;
	s22 =	simm.s32 $0x0;
	s8 =	smul.u32 $0x14000, s2  }
0x7: {  	[smem:$0x7FF] =	sst s3;
	s4 =	sadd.s32 $0x5200, s6;
	s9 =	smul.u32 $0x50000, s2  }
0x8: {  	s5 =	sadd.s32 $0x53400, s6;
	s30 =	ssub.s32 $0x2, s11;
	s11 =	smul.u32 $0x9D000, s11  }
0x9: {  	_ =	strace $0x8000004A;
	s12 =	smul.u32 $0x9D00, s2;
	s20 =	sshll.u32 s2, $0x6  }
0xa: {  	s31 =	sshrl.u32 s30, $0x1;
	s20 =	sor.u32 $0x1C02, s20;
	s7 =	sadd.s32 s8, s7  }
0xb: {  	s9 =	sshrl.u32 s9, $0x2;
	s14 =	ssub.s32 s30, s31;
	s7 =	sshrl.u32 s7, $0x3  }
0xc: {  	s14 =	smax.u32 s14, $0x1;
	s13 =	sadd.s32 s7, s6;
	s6 =	sadd.s32 s9, s1  }
0xd: {  	s7 =	sadd.s32 $0x4000, s6;
	s8 =	sadd.s32 $0x8000, s6;
	s9 =	sadd.s32 $0xC000, s6  }
0xe: {  	v0 =	vimm.f32 $0.0e+00;
	s10 =	sadd.s32 $0x10000, s6;
	s13 =	sadd.s32 $0x7A800, s13;
	s21 =	sshrl.u32 s6, $0x3  }
.LBB2_1:
0xf: {  	s23 =	simm.s32 $0x0;
	s24 =	simm.s32 $0x200  }
.LBB2_2:
0x10: {  	p0 =	sne.s32 s24, $0xFE00;
	[tilespmem:s23+$0x70] =	vst v0  }
0x11: {  	[tilespmem:s23+$0x0] =	vst v0  }
0x12: {  	[tilespmem:s23+$0x10] =	vst v0  }
.Ltmp0:
0x13: {  	[tilespmem:s23+$0x20] =	vst v0;
	(pc) =	sbr.rel @p0 .LBB2_2-.Ltmp0, $4  }
0x14: {  	[tilespmem:s23+$0x30] =	vst v0  }
0x15: {  	[tilespmem:s23+$0x40] =	vst v0  }
0x16: {  	[tilespmem:s23+$0x50] =	vst v0  }
0x17: {  	[tilespmem:s23+$0x60] =	vst v0;
	s23 =	sshra.s32 s24, $0x2;
	s24 =	sadd.s32 $0x200, s24  }
0x18: {  	[tilespmem:s23+$0x70] =	vst v0  }
0x19: {  	[tilespmem:s23+$0x0] =	vst v0  }
0x1a: {  	[tilespmem:s23+$0x10] =	vst v0  }
0x1b: {  	[tilespmem:s23+$0x20] =	vst v0  }
0x1c: {  	[tilespmem:s23+$0x30] =	vst v0  }
0x1d: {  	[tilespmem:s23+$0x40] =	vst v0  }
0x1e: {  	[tilespmem:s23+$0x50] =	vst v0  }
0x1f: {  	[tilespmem:s23+$0x60] =	vst v0;
	s28 =	simm.s32 $0x0  }
0x20: {  	[spmem:s6] =	stream.linear.scatter [tilespmem:s28], [sflag:$0x2], $0x4000, $0x38;
	[tilespmem:$0x18100] =	vst v63  }
0x21: {  	_ =	swait.ge [sflag:s15], $0x4000  }
0x22: {  	[sflag:s15] =	ssyncset.done $0x0  }
0x23: {  	[sflag:s15] =	ssyncadd.s32 $0xFFFFC000  }
0x24: {  	[spmem:s7] =	stream.linear.scatter [tilespmem:s28], [sflag:$0x2], $0x4000, $0x38;
	[tilespmem:$0x18100] =	vst v63  }
0x25: {  	_ =	swait.ge [sflag:s15], $0x4000  }
0x26: {  	[sflag:s15] =	ssyncset.done $0x0  }
0x27: {  	[sflag:s15] =	ssyncadd.s32 $0xFFFFC000  }
0x28: {  	[spmem:s8] =	stream.linear.scatter [tilespmem:s28], [sflag:$0x2], $0x4000, $0x38;
	[tilespmem:$0x18100] =	vst v63  }
0x29: {  	_ =	swait.ge [sflag:s15], $0x4000  }
0x2a: {  	[sflag:s15] =	ssyncset.done $0x0  }
0x2b: {  	[sflag:s15] =	ssyncadd.s32 $0xFFFFC000  }
0x2c: {  	[spmem:s9] =	stream.linear.scatter [tilespmem:s28], [sflag:$0x2], $0x4000, $0x38;
	[tilespmem:$0x18100] =	vst v63  }
0x2d: {  	_ =	swait.ge [sflag:s15], $0x4000  }
0x2e: {  	s29 =	sadd.s32 $0x0, s12;
	[sflag:s15] =	ssyncset.done $0x0  }
0x2f: {  	s24 =	sand.u32 $0x1FFC00, s29;
	[sflag:s15] =	ssyncadd.s32 $0xFFFFC000  }
0x30: {  	[spmem:s10] =	stream.linear.scatter [tilespmem:s28], [sflag:$0x2], $0x4000, $0x38;
	[tilespmem:$0x18100] =	vst v63  }
0x31: {  	s23 =	sand.u32 $0x300, s29;
	s24 =	sadd.s32 s11, s24;
	_ =	swait.ge [sflag:s15], $0x4000  }
0x32: {  	s23 =	sor.u32 s23, s24;
	[sflag:s15] =	ssyncset.done $0x0  }
0x33: {  	s23 =	sshrl.u32 s23, $0x3;
	[sflag:s15] =	ssyncadd.s32 $0xFFFFC000  }
0x34: {  	s23 =	sadd.s32 s5, s23;
	[bflag:$0x0] =	sbarrier.arrive $0xFFFF  }
0x35: {  	[tilespmem:s16], [sflag:$0x2] =	stream.linear.gather [hbm4b:s23+s3], $0x100, $0x38;
	[tilespmem:$0x18100] =	vst v63  }
0x36: {  	_ =	swait.ge [sflag:s15], $0x100  }
0x37: {  	[sflag:s15] =	ssyncset.done $0x0  }
0x38: {  	s30 =	sadd.s32 $0x100, s12;
	[sflag:s15] =	ssyncadd.s32 $0xFFFFFF00  }
0x39: {  	[tilespmem:s3], [sflag:$0x1] =	stream.indirect.gather [hbm4b:s4+s17], $0x80, s16, s17, $0xb8;
	[tilespmem:$0x18100] =	vst v63  }
0x3a: {  	s31 =	sand.u32 $0x1FFC00, s30;
	_ =	swait.ge [sflag:s18], $0x4000  }
0x3b: {  	s25 =	sand.u32 $0x300, s30;
	s24 =	sadd.s32 s11, s31;
	[sflag:s18] =	ssyncset.done $0x0  }
0x3c: {  	s24 =	sor.u32 s25, s24;
	s23 =	simm.s32 $0x200;
	[sflag:s18] =	ssyncadd.s32 $0xFFFFC000  }
.LBB2_4:
0x3d: {  	p0 =	sne.s32 s23, $0x9C00  }
0x3e: {  	s24 =	sshrl.u32 s24, $0x3;
	s25 =	smov.u32 s23;
	s23 =	sadd.s32 $0x100, s23  }
0x3f: {  	[spmem:s1] =	stream.indirect.scatter.add.f32 [tilespmem:s3], [sflag:$0x2], $0x80, s19, s17, $0xb8;
	[tilespmem:$0x18100] =	vst v63  }
0x40: {  	_ =	swait.ge [sflag:s15], $0x4000  }
0x41: {  	[sflag:s15] =	ssyncset.done $0x0  }
0x42: {  	s24 =	sadd.s32 s5, s24;
	[sflag:s15] =	ssyncadd.s32 $0xFFFFC000  }
0x43: {  	[tilespmem:s16], [sflag:$0x2] =	stream.linear.gather [hbm4b:s24+s3], $0x100, $0x38;
	[tilespmem:$0x18100] =	vst v63  }
0x44: {  	_ =	swait.ge [sflag:s15], $0x100  }
0x45: {  	[sflag:s15] =	ssyncset.done $0x0  }
.Ltmp1:
0x46: {  	s24 =	sadd.s32 s25, s12;
	[sflag:s15] =	ssyncadd.s32 $0xFFFFFF00;
	(pc) =	sbr.rel @p0 .LBB2_4-.Ltmp1, $4  }
0x47: {  	[tilespmem:s3], [sflag:$0x1] =	stream.indirect.gather [hbm4b:s4+s17], $0x80, s16, s17, $0xb8;
	[tilespmem:$0x18100] =	vst v63  }
0x48: {  	s25 =	sand.u32 $0x1FFC00, s24;
	_ =	swait.ge [sflag:s18], $0x4000  }
0x49: {  	s24 =	sand.u32 $0x300, s24;
	s25 =	sadd.s32 s11, s25;
	[sflag:s18] =	ssyncset.done $0x0  }
0x4a: {  	s24 =	sor.u32 s24, s25;
	[sflag:s18] =	ssyncadd.s32 $0xFFFFC000  }
0x4b: {  	[spmem:s1] =	stream.indirect.scatter.add.f32 [tilespmem:s3], [sflag:$0x2], $0x80, s19, s17, $0xb8;
	[tilespmem:$0x18100] =	vst v63  }
0x4c: {  	_ =	swait.ge [sflag:s15], $0x4000  }
0x4d: {  	s23 =	sshrl.u32 s24, $0x3;
	[sflag:s15] =	ssyncset.done $0x0  }
0x4e: {  	s23 =	sadd.s32 s5, s23;
	[sflag:s15] =	ssyncadd.s32 $0xFFFFC000  }
0x4f: {  	[tilespmem:s16], [sflag:$0x2] =	stream.linear.gather [hbm4b:s23+s3], $0x100, $0x38;
	[tilespmem:$0x18100] =	vst v63  }
0x50: {  	_ =	swait.ge [sflag:s15], $0x100  }
0x51: {  	[sflag:s15] =	ssyncset.done $0x0  }
0x52: {  	[sflag:s15] =	ssyncadd.s32 $0xFFFFFF00  }
0x53: {  	[tilespmem:s3], [sflag:$0x1] =	stream.indirect.gather [hbm4b:s4+s17], $0x80, s16, s17, $0xb8;
	[tilespmem:$0x18100] =	vst v63  }
0x54: {  	_ =	swait.ge [sflag:s18], $0x4000  }
0x55: {  	[sflag:s18] =	ssyncset.done $0x0  }
0x56: {  	[sflag:s18] =	ssyncadd.s32 $0xFFFFC000  }
0x57: {  	[spmem:s1] =	stream.indirect.scatter.add.f32 [tilespmem:s3], [sflag:$0x2], $0x80, s19, s17, $0xb8;
	[tilespmem:$0x18100] =	vst v63  }
0x58: {  	_ =	swait.ge [sflag:s15], $0x4000  }
0x59: {  	s22 =	sadd.s32 $0x1, s22;
	[sflag:s15] =	ssyncset.done $0x0  }
0x5a: {  	p0 =	sne.s32 s22, s14;
	[sflag:s15] =	ssyncadd.s32 $0xFFFFC000  }
.Ltmp2:
0x5b: {  	[bflag:$0x0] =	sbarrier.arrive $0xFFFF;
	(pc) =	sbr.rel @p0 .LBB2_1-.Ltmp2, $4  }
0x5c: {  	[hbm:s13], [sflag:s20] =	dma.local [spmem:s21], $0x2800  }
0x5d: {  	_ =	swait.ge [sflag:s15], $0x2800  }
0x5e: {  	[sflag:s15] =	ssyncset.done $0x0  }
0x5f: {  	[sflag:s15] =	ssyncadd.s32 $0xFFFFD800  }
0x60: {  	_ =	sfence.sel $0x180000  }
0x61: {  	[bflag:$0x0] =	sbarrier.arrive $0xFFFF  }
0x62: {  	p0 =	sne.s32 s2, $0x0;
	_ =	strace $0x9000004A  }
0x63: {  	s0 =	sadd.s32 @!p0 $0x100000, s0;
	[bflag:$0x2] =	sbarrier.arrive $0xFFFF  }
0x64: {  	[sflag:s0] =	ssyncadd.tile.s32 @!p0 $0x1;
	_ =	shalt  }
.Lfunc_end2:
_tile_overlayer_lowered:
.L_overlay_start_2:
0x65: {  	(tag) =	ssettag $0x2  }
0x66: {  	s0 =	rddreg [dreg:$0x0];
	s2 =	stileid.u32  }
0x67: {  	s1 =	rddreg [dreg:$0x1];
	p0 =	sne.s32 s2, $0x0  }
0x68: {  	s3 =	rddreg [dreg:$0x2];
	[bflag:$0x3] =	sbarrier.arrive $0xFFFF;
	s2 =	simm.s32 @!p0 $0x1C02  }
0x69: {  	[timem:s3], [sflag:s2] =	dma.local @!p0 [hbm:s0], s1  }
0x6a: {  	s0 =	simm.s32 @!p0 $0x2  }
0x6b: {  	_ =	swait.ge @!p0 [sflag:s0], s1  }
0x6c: {  	s1 =	ssub.s32 @!p0 $0x0, s1;
	[sflag:s0] =	ssyncset.done @!p0 $0x0  }
0x6d: {  	[sflag:s0] =	ssyncadd.s32 @!p0 s1  }
0x6e: {  	[bflag:$0x3] =	sbarrier.arrive $0xFFFF  }
0x6f: {  	_ =	shalt  }

</sc_bundles>
